<compile_context>
chip_gen: v7x
topology: tpu7x:2x2x1
jax: 0.10.2.dev20260603
libtpu: 0.0.44.dev20260713+nightly
codegen_flags: <defaults>
</compile_context>

<pallas_src>
import functools

import jax
import jax.numpy as jnp
from jax import lax
from jax.experimental import pallas as pl
from jax.experimental.pallas import tpu as pltpu
from jax.experimental.pallas import tpu_sc as plsc

N_NODES = 10000
N_EDGES = 320000
NSUB = 16
NTILE = 32
CHUNK = 128
E_PAD = ((N_EDGES + NTILE * CHUNK - 1) // (NTILE * CHUNK)) * (NTILE * CHUNK)
EDGES_PER_TEC = E_PAD // NSUB
N_CHUNKS = EDGES_PER_TEC // CHUNK
DEG_EDGES_PER_TEC = E_PAD // NTILE
DEG_CHUNKS = DEG_EDGES_PER_TEC // CHUNK
N_PAD = 10240
ROWS_PER_TEC = N_PAD // NSUB


def _mesh():
  return plsc.VectorSubcoreMesh(core_axis_name="c", subcore_axis_name="s",
                                num_cores=2, num_subcores=NSUB)


@functools.cache
def _build_sc_agg():
  f32 = jnp.float32
  out_type = [
      jax.ShapeDtypeStruct((N_PAD, 128), f32),
      jax.ShapeDtypeStruct((N_PAD, 128), f32),
  ]
  scratch = [
      pltpu.VMEM_SHARED((N_PAD, 128), f32),
      pltpu.VMEM((CHUNK,), jnp.int32),
      pltpu.VMEM((CHUNK,), jnp.int32),
      pltpu.VMEM((CHUNK, 128), f32),
      pltpu.SemaphoreType.DMA,
  ]

  def body(xa, xb, src, dst, zeros, suma, sumb, acc, sidx, didx, rows, sem):
    c = lax.axis_index("c")
    s = lax.axis_index("s")
    r0 = s * ROWS_PER_TEC
    sl = pl.ds(r0, ROWS_PER_TEC)
    pltpu.sync_copy(zeros.at[sl], acc.at[sl])
    plsc.subcore_barrier()

    def edge_loop(table):
      def step(i, _):
        base = s * EDGES_PER_TEC + i * CHUNK
        pltpu.sync_copy(src.at[pl.ds(base, CHUNK)], sidx)
        pltpu.sync_copy(dst.at[pl.ds(base, CHUNK)], didx)
        pltpu.async_copy(table.at[sidx], rows, sem).wait()
        pltpu.sync_copy(rows, acc.at[didx], add=True)
        return 0
      lax.fori_loop(0, N_CHUNKS, step, 0)

    @pl.when(c == 0)
    def _():
      edge_loop(xa)

    @pl.when(c == 1)
    def _():
      edge_loop(xb)

    plsc.subcore_barrier()

    @pl.when(c == 0)
    def _():
      pltpu.sync_copy(acc.at[sl], suma.at[sl])

    @pl.when(c == 1)
    def _():
      pltpu.sync_copy(acc.at[sl], sumb.at[sl])

  return pl.kernel(body, out_type=out_type, mesh=_mesh(),
                   scratch_types=scratch)


@functools.cache
def _build_sc_deg():
  f32 = jnp.float32
  out_type = [
      jax.ShapeDtypeStruct((N_PAD, 128), f32),
      jax.ShapeDtypeStruct((N_PAD, 128), f32),
  ]
  scratch = [
      pltpu.VMEM_SHARED((N_PAD, 128), f32),
      pltpu.VMEM((CHUNK,), jnp.int32),
      pltpu.VMEM((CHUNK, 128), f32),
  ]

  def body(dst, zeros, ones, deg0, deg1, acc, didx, ones_v):
    c = lax.axis_index("c")
    s = lax.axis_index("s")
    w = c * NSUB + s
    sl = pl.ds(s * ROWS_PER_TEC, ROWS_PER_TEC)
    pltpu.sync_copy(zeros.at[sl], acc.at[sl])
    pltpu.sync_copy(ones, ones_v)
    plsc.subcore_barrier()

    def step(i, _):
      base = w * DEG_EDGES_PER_TEC + i * CHUNK
      pltpu.sync_copy(dst.at[pl.ds(base, CHUNK)], didx)
      pltpu.sync_copy(ones_v, acc.at[didx], add=True)
      return 0
    lax.fori_loop(0, DEG_CHUNKS, step, 0)

    plsc.subcore_barrier()

    @pl.when(c == 0)
    def _():
      pltpu.sync_copy(acc.at[sl], deg0.at[sl])

    @pl.when(c == 1)
    def _():
      pltpu.sync_copy(acc.at[sl], deg1.at[sl])

  return pl.kernel(body, out_type=out_type, mesh=_mesh(),
                   scratch_types=scratch)


def _build_tc_layer(out_width: int, relu: bool, split_out: bool):
  R = 1000

  def body(suma, sumb, dega, degb, xa, xb, wl, wr, b, *outs):
    s = jnp.concatenate([suma[...], sumb[...]], axis=1)
    x = jnp.concatenate([xa[...], xb[...]], axis=1)
    rdeg = 1.0 / jnp.maximum(dega[...] + degb[...], 1.0)
    z = jnp.dot(s * rdeg, wl[...], preferred_element_type=jnp.float32,
                precision=lax.Precision.HIGHEST)
    z = z + jnp.dot(x, wr[...], preferred_element_type=jnp.float32,
                    precision=lax.Precision.HIGHEST)
    z = z + b[...]
    if relu:
      z = jnp.maximum(z, 0.0)
    if split_out:
      outs[0][...] = z[:, :128]
      outs[1][...] = z[:, 128:]
    else:
      outs[0][...] = z

  if split_out:
    out_shape = [jax.ShapeDtypeStruct((N_NODES, 128), jnp.float32),
                 jax.ShapeDtypeStruct((N_NODES, 128), jnp.float32)]
    out_specs = [pl.BlockSpec((R, 128), lambda i: (i, 0)),
                 pl.BlockSpec((R, 128), lambda i: (i, 0))]
  else:
    out_shape = [jax.ShapeDtypeStruct((N_NODES, out_width), jnp.float32)]
    out_specs = [pl.BlockSpec((R, out_width), lambda i: (i, 0))]

  grid = (N_NODES // R,)
  in_specs = [
      pl.BlockSpec((R, 128), lambda i: (i, 0)),
      pl.BlockSpec((R, 128), lambda i: (i, 0)),
      pl.BlockSpec((R, 1), lambda i: (i, 0)),
      pl.BlockSpec((R, 1), lambda i: (i, 0)),
      pl.BlockSpec((R, 128), lambda i: (i, 0)),
      pl.BlockSpec((R, 128), lambda i: (i, 0)),
      pl.BlockSpec((256, out_width), lambda i: (0, 0)),
      pl.BlockSpec((256, out_width), lambda i: (0, 0)),
      pl.BlockSpec((1, out_width), lambda i: (0, 0)),
  ]
  return pl.pallas_call(body, grid=grid, in_specs=in_specs,
                        out_specs=out_specs, out_shape=out_shape)


_tc_mid = _build_tc_layer(256, relu=True, split_out=True)
_tc_final = _build_tc_layer(128, relu=False, split_out=False)


@jax.jit
def kernel(x0, x1, edge_index, Wl0, Wr0, b0, Wl1, Wr1, b1,
           Wl2, Wr2, b2, Wl3, Wr3, b3):
  f32 = jnp.float32
  pad_e = E_PAD - N_EDGES
  src = jnp.concatenate([edge_index[0], jnp.zeros((pad_e,), jnp.int32)])
  dst = jnp.concatenate([edge_index[1],
                         jnp.full((pad_e,), N_NODES, jnp.int32)])
  zeros = jnp.zeros((N_PAD, 128), f32)
  ones = jnp.ones((CHUNK, 128), f32)

  z128 = jnp.zeros((128, 128), f32)
  wl01 = jnp.block([[Wl0, z128], [z128, Wl1]])
  wr01 = jnp.block([[Wr0, z128], [z128, Wr1]])
  b01 = jnp.concatenate([b0, b1])[None, :]

  deg0, deg1 = _build_sc_deg()(dst, zeros, ones)
  dega = deg0[:N_NODES, :1]
  degb = deg1[:N_NODES, :1]

  suma, sumb = _build_sc_agg()(x0, x1, src, dst, zeros)
  ha, hb = _tc_mid(suma[:N_NODES], sumb[:N_NODES], dega, degb, x0, x1,
                   wl01, wr01, b01)
  suma, sumb = _build_sc_agg()(ha, hb, src, dst, zeros)
  xa, xb = _tc_mid(suma[:N_NODES], sumb[:N_NODES], dega, degb, ha, hb,
                   Wl2, Wr2, b2[None, :])
  suma, sumb = _build_sc_agg()(xa, xb, src, dst, zeros)
  (out,) = _tc_final(suma[:N_NODES], sumb[:N_NODES], dega, degb, xa, xb,
                     Wl3, Wr3, b3[None, :])
  return out

# --- scband reference (transcript-rebuilt; emitter-appended) ---
"""Pipeline reference for scband-lasage-39822936769198 (READ-ONLY COPY).

The authoritative reference and input builder live on the scoring server;
editing this copy changes nothing except your own understanding.
"""

import jax, jax.numpy as jnp
import numpy as np

N = 10000
E = 320000
D = 128
H = 128
OUT = 128


def _sage_conv(x, src, dst, Wl, Wr, b, n):
    # PyG SAGEConv with mean aggregation:
    #   out = lin_l(mean_{j in N(i)} x_j) + lin_r(x_i)
    msgs = jnp.take(x, src, axis=0)
    agg = jax.ops.segment_sum(msgs, dst, num_segments=n)
    deg = jax.ops.segment_sum(jnp.ones((src.shape[0],), dtype=x.dtype), dst, num_segments=n)
    agg = agg / jnp.clip(deg, 1.0)[:, None]
    return agg @ Wl + x @ Wr + b


def setup_inputs(seed: int = 0) -> dict:
    key = jax.random.key(seed)
    ks = jax.random.split(key, 16)
    inp = {}
    inp["x0"] = jax.random.normal(ks[0], (N, D), dtype=jnp.float32)
    inp["x1"] = jax.random.normal(ks[1], (N, D), dtype=jnp.float32)
    inp["edge_index"] = jax.random.randint(ks[2], (2, E), 0, N, dtype=jnp.int32)
    # convs_initial: two SAGEConv(128 -> 128)
    s1 = 1.0 / np.sqrt(D)
    inp["Wl0"] = jax.random.normal(ks[3], (D, H), dtype=jnp.float32) * s1
    inp["Wr0"] = jax.random.normal(ks[4], (D, H), dtype=jnp.float32) * s1
    inp["b0"] = jnp.zeros((H,), dtype=jnp.float32)
    inp["Wl1"] = jax.random.normal(ks[5], (D, H), dtype=jnp.float32) * s1
    inp["Wr1"] = jax.random.normal(ks[6], (D, H), dtype=jnp.float32) * s1
    inp["b1"] = jnp.zeros((H,), dtype=jnp.float32)
    # convs[0]: SAGEConv(256 -> 256)
    s2 = 1.0 / np.sqrt(2 * H)
    inp["Wl2"] = jax.random.normal(ks[7], (2 * H, 2 * H), dtype=jnp.float32) * s2
    inp["Wr2"] = jax.random.normal(ks[8], (2 * H, 2 * H), dtype=jnp.float32) * s2
    inp["b2"] = jnp.zeros((2 * H,), dtype=jnp.float32)
    # convs[-1]: SAGEConv(256 -> 128)
    inp["Wl3"] = jax.random.normal(ks[9], (2 * H, OUT), dtype=jnp.float32) * s2
    inp["Wr3"] = jax.random.normal(ks[10], (2 * H, OUT), dtype=jnp.float32) * s2
    inp["b3"] = jnp.zeros((OUT,), dtype=jnp.float32)
    return inp


def reference(x0, x1, edge_index, Wl0, Wr0, b0, Wl1, Wr1, b1, Wl2, Wr2, b2, Wl3, Wr3, b3):
    src = edge_index[0]
    dst = edge_index[1]
    # initial per-branch convs (dropout omitted: eval mode)
    h0 = jax.nn.relu(_sage_conv(x0, src, dst, Wl0, Wr0, b0, N))
    h1 = jax.nn.relu(_sage_conv(x1, src, dst, Wl1, Wr1, b1, N))
    x = jnp.concatenate([h0, h1], axis=-1)
    # middle conv (num_layers - 2 = 1)
    x = jax.nn.relu(_sage_conv(x, src, dst, Wl2, Wr2, b2, N))
    # final conv
    x = _sage_conv(x, src, dst, Wl3, Wr3, b3, N)
    return x

if __name__ == "__main__":
    import jax
    _d = setup_inputs()
    print(jax.jit(kernel)(*tuple(_d.values())))

</pallas_src>

<mosaic_0001>
#map = affine_map<(d0, d1) -> (0)>
#map1 = affine_map<(d0, d1) -> (0, 0)>
module attributes {stable_mosaic.version = 14 : i64} {
  func.func @body(%arg0: i32, %arg1: i32, %arg2: memref<323584xi32, #tpu.memory_space<hbm>>, %arg3: memref<10240x128xf32, #tpu.memory_space<hbm>>, %arg4: memref<128x128xf32, #tpu.memory_space<hbm>>, %arg5: memref<10240x128xf32, #tpu.memory_space<hbm>>, %arg6: memref<10240x128xf32, #tpu.memory_space<hbm>>, %arg7: memref<10240x128xf32, #tpu.memory_space<vmem_shared>>, %arg8: memref<128xi32, #tpu.memory_space<vmem>>, %arg9: memref<128x128xf32, #tpu.memory_space<vmem>>) attributes {dimension_semantics = [#tpu.dimension_semantics<core_parallel>, #tpu.dimension_semantics<subcore_parallel>], iteration_bounds = array<i64: 2, 16>, scalar_prefetch = 0 : i64, scratch_operands = 3 : i64, tpu.core_type = #tpu.core_type<sc_vector_subcore>, window_params = [{transform_indices = #map}, {transform_indices = #map1}, {transform_indices = #map1}, {transform_indices = #map1}, {transform_indices = #map1}]} {
    %mul3A = arith.constant 16 : i32
    %mul3A_0 = arith.muli %arg0, %mul3A : i32
    %add3A = arith.addi %mul3A_0, %arg1 : i32
    %mul3A_1 = arith.constant 640 : i32
    %mul3A_2 = arith.muli %arg1, %mul3A_1 : i32
    "tpu.region"() ({
      %run_scoped3A = tpu.sem_alloc : memref<!tpu.dma_semaphore, #tpu.memory_space<semaphore_mem>>
      %dma_start3A = arith.constant 0 : i32
      %dma_start3A_17 = tpu.memref_slice %arg7[%mul3A_2, %dma_start3A] : memref<10240x128xf32, #tpu.memory_space<vmem_shared>> -> memref<640x128xf32, #tpu.memory_space<vmem_shared>>
      %dma_start3A_18 = arith.constant 0 : i32
      %dma_start3A_19 = tpu.memref_slice %arg3[%mul3A_2, %dma_start3A_18] : memref<10240x128xf32, #tpu.memory_space<hbm>> -> memref<640x128xf32, #tpu.memory_space<hbm>>
      tpu.enqueue_dma source(%dma_start3A_19 : memref<640x128xf32, #tpu.memory_space<hbm>>) target(%dma_start3A_17 : memref<640x128xf32, #tpu.memory_space<vmem_shared>>) target_semaphore(%run_scoped3A : memref<!tpu.dma_semaphore, #tpu.memory_space<semaphore_mem>>)
      %dma_wait3A = arith.constant 0 : i32
      %dma_wait3A_20 = tpu.memref_slice %arg7[%mul3A_2, %dma_wait3A] : memref<10240x128xf32, #tpu.memory_space<vmem_shared>> -> memref<640x128xf32, #tpu.memory_space<vmem_shared>>
      %dma_wait3A_21 = arith.constant 0 : i32
      %dma_wait3A_22 = tpu.memref_slice %arg3[%mul3A_2, %dma_wait3A_21] : memref<10240x128xf32, #tpu.memory_space<hbm>> -> memref<640x128xf32, #tpu.memory_space<hbm>>
      tpu.wait_dma2 semaphore(%run_scoped3A : memref<!tpu.dma_semaphore, #tpu.memory_space<semaphore_mem>>) src(%dma_wait3A_22 : memref<640x128xf32, #tpu.memory_space<hbm>>) dst(%dma_wait3A_20 : memref<640x128xf32, #tpu.memory_space<vmem_shared>>)
      tpu.yield
    }) : () -> ()
    "tpu.region"() ({
      %run_scoped3A = tpu.sem_alloc : memref<!tpu.dma_semaphore, #tpu.memory_space<semaphore_mem>>
      tpu.enqueue_dma source(%arg4 : memref<128x128xf32, #tpu.memory_space<hbm>>) target(%arg9 : memref<128x128xf32, #tpu.memory_space<vmem>>) target_semaphore(%run_scoped3A : memref<!tpu.dma_semaphore, #tpu.memory_space<semaphore_mem>>)
      tpu.wait_dma2 semaphore(%run_scoped3A : memref<!tpu.dma_semaphore, #tpu.memory_space<semaphore_mem>>) src(%arg4 : memref<128x128xf32, #tpu.memory_space<hbm>>) dst(%arg9 : memref<128x128xf32, #tpu.memory_space<vmem>>)
      tpu.yield
    }) : () -> ()
    %barrier3A = arith.constant 0 : index
    tpu.barrier barrier_id(%barrier3A)
    %scan3A = arith.constant 0 : i32
    %scan3A_3 = arith.constant 0 : i32
    %scan3A_4 = arith.constant 79 : i32
    %scan3A_5 = arith.addi %scan3A_3, %scan3A_4 : i32
    %scan3A_6 = arith.constant 1 : i32
    %scan3A_7 = scf.for %scan3A_17 = %scan3A_3 to %scan3A_5 step %scan3A_6 iter_args(%scan3A_18 = %scan3A) -> (i32)  : i32 {
      %mul3A_19 = arith.constant 10112 : i32
      %mul3A_20 = arith.muli %add3A, %mul3A_19 : i32
      %mul3A_21 = arith.constant 128 : i32
      %mul3A_22 = arith.muli %scan3A_17, %mul3A_21 : i32
      %add3A_23 = arith.addi %mul3A_20, %mul3A_22 : i32
      "tpu.region"() ({
        %run_scoped3A = tpu.sem_alloc : memref<!tpu.dma_semaphore, #tpu.memory_space<semaphore_mem>>
        %dma_start3A = tpu.memref_slice %arg2[%add3A_23] : memref<323584xi32, #tpu.memory_space<hbm>> -> memref<128xi32, #tpu.memory_space<hbm>>
        %dma_start3A_25 = tpu.memref_slice %arg2[%add3A_23] : memref<323584xi32, #tpu.memory_space<hbm>> -> memref<128xi32, #tpu.memory_space<hbm>>
        tpu.enqueue_dma source(%dma_start3A_25 : memref<128xi32, #tpu.memory_space<hbm>>) target(%arg8 : memref<128xi32, #tpu.memory_space<vmem>>) target_semaphore(%run_scoped3A : memref<!tpu.dma_semaphore, #tpu.memory_space<semaphore_mem>>)
        %dma_wait3A = tpu.memref_slice %arg2[%add3A_23] : memref<323584xi32, #tpu.memory_space<hbm>> -> memref<128xi32, #tpu.memory_space<hbm>>
        %dma_wait3A_26 = tpu.memref_slice %arg2[%add3A_23] : memref<323584xi32, #tpu.memory_space<hbm>> -> memref<128xi32, #tpu.memory_space<hbm>>
        tpu.wait_dma2 semaphore(%run_scoped3A : memref<!tpu.dma_semaphore, #tpu.memory_space<semaphore_mem>>) src(%dma_wait3A_26 : memref<128xi32, #tpu.memory_space<hbm>>) dst(%arg8 : memref<128xi32, #tpu.memory_space<vmem>>)
        tpu.yield
      }) : () -> ()
      "tpu.region"() ({
        %run_scoped3A = tpu.sem_alloc : memref<!tpu.dma_semaphore, #tpu.memory_space<semaphore_mem>>
        %dma_start3A = arith.constant 0 : i32
        %dma_start3A_25 = arith.constant 0 : i32
        %dma_start3A_26 = tpu.memref_slice %arg7[%dma_start3A, %dma_start3A_25] : memref<10240x128xf32, #tpu.memory_space<vmem_shared>> -> memref<10240x128xf32, #tpu.memory_space<vmem_shared>>
        tpu.enqueue_indirect_dma source(%arg9 : memref<128x128xf32, #tpu.memory_space<vmem>>) target(%dma_start3A_26 : memref<10240x128xf32, #tpu.memory_space<vmem_shared>>) offsets(%arg8 : memref<128xi32, #tpu.memory_space<vmem>>) semaphore(%run_scoped3A : memref<!tpu.dma_semaphore, #tpu.memory_space<semaphore_mem>>) {add = true}
        %dma_wait3A = arith.constant 0 : i32
        %dma_wait3A_27 = arith.constant 0 : i32
        %dma_wait3A_28 = tpu.memref_slice %arg7[%dma_wait3A, %dma_wait3A_27] : memref<10240x128xf32, #tpu.memory_space<vmem_shared>> -> memref<10240x128xf32, #tpu.memory_space<vmem_shared>>
        tpu.wait_indirect_dma semaphore(%run_scoped3A : memref<!tpu.dma_semaphore, #tpu.memory_space<semaphore_mem>>) src(%arg9 : memref<128x128xf32, #tpu.memory_space<vmem>>) dst(%dma_wait3A_28 : memref<10240x128xf32, #tpu.memory_space<vmem_shared>>)
        tpu.yield
      }) : () -> ()
      %scan3A_24 = arith.constant 0 : i32
      scf.yield %scan3A_24 : i32
    }
    %scan3A_8 = arith.constant 79 : i32
    %barrier3A_9 = arith.constant 0 : index
    tpu.barrier barrier_id(%barrier3A_9)
    %eq3A = arith.constant 0 : i32
    %eq3A_10 = arith.cmpi eq, %arg0, %eq3A : i32
    %convert_element_type3A = arith.extui %eq3A_10 : i1 to i32
    %cond3A = arith.constant 0 : i32
    %cond3A_11 = arith.cmpi ne, %convert_element_type3A, %cond3A : i32
    scf.if %cond3A_11 {
      "tpu.region"() ({
        %run_scoped3A = tpu.sem_alloc : memref<!tpu.dma_semaphore, #tpu.memory_space<semaphore_mem>>
        %dma_start3A = arith.constant 0 : i32
        %dma_start3A_17 = tpu.memref_slice %arg5[%mul3A_2, %dma_start3A] : memref<10240x128xf32, #tpu.memory_space<hbm>> -> memref<640x128xf32, #tpu.memory_space<hbm>>
        %dma_start3A_18 = arith.constant 0 : i32
        %dma_start3A_19 = tpu.memref_slice %arg7[%mul3A_2, %dma_start3A_18] : memref<10240x128xf32, #tpu.memory_space<vmem_shared>> -> memref<640x128xf32, #tpu.memory_space<vmem_shared>>
        tpu.enqueue_dma source(%dma_start3A_19 : memref<640x128xf32, #tpu.memory_space<vmem_shared>>) target(%dma_start3A_17 : memref<640x128xf32, #tpu.memory_space<hbm>>) target_semaphore(%run_scoped3A : memref<!tpu.dma_semaphore, #tpu.memory_space<semaphore_mem>>)
        %dma_wait3A = arith.constant 0 : i32
        %dma_wait3A_20 = tpu.memref_slice %arg5[%mul3A_2, %dma_wait3A] : memref<10240x128xf32, #tpu.memory_space<hbm>> -> memref<640x128xf32, #tpu.memory_space<hbm>>
        %dma_wait3A_21 = arith.constant 0 : i32
        %dma_wait3A_22 = tpu.memref_slice %arg7[%mul3A_2, %dma_wait3A_21] : memref<10240x128xf32, #tpu.memory_space<vmem_shared>> -> memref<640x128xf32, #tpu.memory_space<vmem_shared>>
        tpu.wait_dma2 semaphore(%run_scoped3A : memref<!tpu.dma_semaphore, #tpu.memory_space<semaphore_mem>>) src(%dma_wait3A_22 : memref<640x128xf32, #tpu.memory_space<vmem_shared>>) dst(%dma_wait3A_20 : memref<640x128xf32, #tpu.memory_space<hbm>>)
        tpu.yield
      }) : () -> ()
    } else {
    }
    %eq3A_12 = arith.constant 1 : i32
    %eq3A_13 = arith.cmpi eq, %arg0, %eq3A_12 : i32
    %convert_element_type3A_14 = arith.extui %eq3A_13 : i1 to i32
    %cond3A_15 = arith.constant 0 : i32
    %cond3A_16 = arith.cmpi ne, %convert_element_type3A_14, %cond3A_15 : i32
    scf.if %cond3A_16 {
      "tpu.region"() ({
        %run_scoped3A = tpu.sem_alloc : memref<!tpu.dma_semaphore, #tpu.memory_space<semaphore_mem>>
        %dma_start3A = arith.constant 0 : i32
        %dma_start3A_17 = tpu.memref_slice %arg6[%mul3A_2, %dma_start3A] : memref<10240x128xf32, #tpu.memory_space<hbm>> -> memref<640x128xf32, #tpu.memory_space<hbm>>
        %dma_start3A_18 = arith.constant 0 : i32
        %dma_start3A_19 = tpu.memref_slice %arg7[%mul3A_2, %dma_start3A_18] : memref<10240x128xf32, #tpu.memory_space<vmem_shared>> -> memref<640x128xf32, #tpu.memory_space<vmem_shared>>
        tpu.enqueue_dma source(%dma_start3A_19 : memref<640x128xf32, #tpu.memory_space<vmem_shared>>) target(%dma_start3A_17 : memref<640x128xf32, #tpu.memory_space<hbm>>) target_semaphore(%run_scoped3A : memref<!tpu.dma_semaphore, #tpu.memory_space<semaphore_mem>>)
        %dma_wait3A = arith.constant 0 : i32
        %dma_wait3A_20 = tpu.memref_slice %arg6[%mul3A_2, %dma_wait3A] : memref<10240x128xf32, #tpu.memory_space<hbm>> -> memref<640x128xf32, #tpu.memory_space<hbm>>
        %dma_wait3A_21 = arith.constant 0 : i32
        %dma_wait3A_22 = tpu.memref_slice %arg7[%mul3A_2, %dma_wait3A_21] : memref<10240x128xf32, #tpu.memory_space<vmem_shared>> -> memref<640x128xf32, #tpu.memory_space<vmem_shared>>
        tpu.wait_dma2 semaphore(%run_scoped3A : memref<!tpu.dma_semaphore, #tpu.memory_space<semaphore_mem>>) src(%dma_wait3A_22 : memref<640x128xf32, #tpu.memory_space<vmem_shared>>) dst(%dma_wait3A_20 : memref<640x128xf32, #tpu.memory_space<hbm>>)
        tpu.yield
      }) : () -> ()
    } else {
    }
    return
  }
}

#map = affine_map<(d0, d1) -> (0, 0)>
#map1 = affine_map<(d0, d1) -> (0)>
module attributes {stable_mosaic.version = 14 : i64} {
  func.func @body(%arg0: i32, %arg1: i32, %arg2: memref<10000x128xf32, #tpu.memory_space<hbm>>, %arg3: memref<10000x128xf32, #tpu.memory_space<hbm>>, %arg4: memref<323584xi32, #tpu.memory_space<hbm>>, %arg5: memref<323584xi32, #tpu.memory_space<hbm>>, %arg6: memref<10240x128xf32, #tpu.memory_space<hbm>>, %arg7: memref<10240x128xf32, #tpu.memory_space<hbm>>, %arg8: memref<10240x128xf32, #tpu.memory_space<hbm>>, %arg9: memref<10240x128xf32, #tpu.memory_space<vmem_shared>>, %arg10: memref<128xi32, #tpu.memory_space<vmem>>, %arg11: memref<128xi32, #tpu.memory_space<vmem>>, %arg12: memref<128x128xf32, #tpu.memory_space<vmem>>, %arg13: memref<!tpu.dma_semaphore, #tpu.memory_space<semaphore_mem>>) attributes {dimension_semantics = [#tpu.dimension_semantics<core_parallel>, #tpu.dimension_semantics<subcore_parallel>], iteration_bounds = array<i64: 2, 16>, scalar_prefetch = 0 : i64, scratch_operands = 5 : i64, tpu.core_type = #tpu.core_type<sc_vector_subcore>, window_params = [{transform_indices = #map}, {transform_indices = #map}, {transform_indices = #map1}, {transform_indices = #map1}, {transform_indices = #map}, {transform_indices = #map}, {transform_indices = #map}]} {
    %mul3A = arith.constant 640 : i32
    %mul3A_0 = arith.muli %arg1, %mul3A : i32
    "tpu.region"() ({
      %run_scoped3A = tpu.sem_alloc : memref<!tpu.dma_semaphore, #tpu.memory_space<semaphore_mem>>
      %dma_start3A = arith.constant 0 : i32
      %dma_start3A_19 = tpu.memref_slice %arg9[%mul3A_0, %dma_start3A] : memref<10240x128xf32, #tpu.memory_space<vmem_shared>> -> memref<640x128xf32, #tpu.memory_space<vmem_shared>>
      %dma_start3A_20 = arith.constant 0 : i32
      %dma_start3A_21 = tpu.memref_slice %arg6[%mul3A_0, %dma_start3A_20] : memref<10240x128xf32, #tpu.memory_space<hbm>> -> memref<640x128xf32, #tpu.memory_space<hbm>>
      tpu.enqueue_dma source(%dma_start3A_21 : memref<640x128xf32, #tpu.memory_space<hbm>>) target(%dma_start3A_19 : memref<640x128xf32, #tpu.memory_space<vmem_shared>>) target_semaphore(%run_scoped3A : memref<!tpu.dma_semaphore, #tpu.memory_space<semaphore_mem>>)
      %dma_wait3A = arith.constant 0 : i32
      %dma_wait3A_22 = tpu.memref_slice %arg9[%mul3A_0, %dma_wait3A] : memref<10240x128xf32, #tpu.memory_space<vmem_shared>> -> memref<640x128xf32, #tpu.memory_space<vmem_shared>>
      %dma_wait3A_23 = arith.constant 0 : i32
      %dma_wait3A_24 = tpu.memref_slice %arg6[%mul3A_0, %dma_wait3A_23] : memref<10240x128xf32, #tpu.memory_space<hbm>> -> memref<640x128xf32, #tpu.memory_space<hbm>>
      tpu.wait_dma2 semaphore(%run_scoped3A : memref<!tpu.dma_semaphore, #tpu.memory_space<semaphore_mem>>) src(%dma_wait3A_24 : memref<640x128xf32, #tpu.memory_space<hbm>>) dst(%dma_wait3A_22 : memref<640x128xf32, #tpu.memory_space<vmem_shared>>)
      tpu.yield
    }) : () -> ()
    %barrier3A = arith.constant 0 : index
    tpu.barrier barrier_id(%barrier3A)
    %eq3A = arith.constant 0 : i32
    %eq3A_1 = arith.cmpi eq, %arg0, %eq3A : i32
    %convert_element_type3A = arith.extui %eq3A_1 : i1 to i32
    %cond3A = arith.constant 0 : i32
    %cond3A_2 = arith.cmpi ne, %convert_element_type3A, %cond3A : i32
    scf.if %cond3A_2 {
      %scan3A = arith.constant 0 : i32
      %scan3A_19 = arith.constant 0 : i32
      %scan3A_20 = arith.constant 158 : i32
      %scan3A_21 = arith.addi %scan3A_19, %scan3A_20 : i32
      %scan3A_22 = arith.constant 1 : i32
      %scan3A_23 = scf.for %scan3A_25 = %scan3A_19 to %scan3A_21 step %scan3A_22 iter_args(%scan3A_26 = %scan3A) -> (i32)  : i32 {
        %mul3A_27 = arith.constant 20224 : i32
        %mul3A_28 = arith.muli %arg1, %mul3A_27 : i32
        %mul3A_29 = arith.constant 128 : i32
        %mul3A_30 = arith.muli %scan3A_25, %mul3A_29 : i32
        %add3A = arith.addi %mul3A_28, %mul3A_30 : i32
        "tpu.region"() ({
          %run_scoped3A = tpu.sem_alloc : memref<!tpu.dma_semaphore, #tpu.memory_space<semaphore_mem>>
          %dma_start3A_36 = tpu.memref_slice %arg4[%add3A] : memref<323584xi32, #tpu.memory_space<hbm>> -> memref<128xi32, #tpu.memory_space<hbm>>
          %dma_start3A_37 = tpu.memref_slice %arg4[%add3A] : memref<323584xi32, #tpu.memory_space<hbm>> -> memref<128xi32, #tpu.memory_space<hbm>>
          tpu.enqueue_dma source(%dma_start3A_37 : memref<128xi32, #tpu.memory_space<hbm>>) target(%arg10 : memref<128xi32, #tpu.memory_space<vmem>>) target_semaphore(%run_scoped3A : memref<!tpu.dma_semaphore, #tpu.memory_space<semaphore_mem>>)
          %dma_wait3A_38 = tpu.memref_slice %arg4[%add3A] : memref<323584xi32, #tpu.memory_space<hbm>> -> memref<128xi32, #tpu.memory_space<hbm>>
          %dma_wait3A_39 = tpu.memref_slice %arg4[%add3A] : memref<323584xi32, #tpu.memory_space<hbm>> -> memref<128xi32, #tpu.memory_space<hbm>>
          tpu.wait_dma2 semaphore(%run_scoped3A : memref<!tpu.dma_semaphore, #tpu.memory_space<semaphore_mem>>) src(%dma_wait3A_39 : memref<128xi32, #tpu.memory_space<hbm>>) dst(%arg10 : memref<128xi32, #tpu.memory_space<vmem>>)
          tpu.yield
        }) : () -> ()
        "tpu.region"() ({
          %run_scoped3A = tpu.sem_alloc : memref<!tpu.dma_semaphore, #tpu.memory_space<semaphore_mem>>
          %dma_start3A_36 = tpu.memref_slice %arg5[%add3A] : memref<323584xi32, #tpu.memory_space<hbm>> -> memref<128xi32, #tpu.memory_space<hbm>>
          %dma_start3A_37 = tpu.memref_slice %arg5[%add3A] : memref<323584xi32, #tpu.memory_space<hbm>> -> memref<128xi32, #tpu.memory_space<hbm>>
          tpu.enqueue_dma source(%dma_start3A_37 : memref<128xi32, #tpu.memory_space<hbm>>) target(%arg11 : memref<128xi32, #tpu.memory_space<vmem>>) target_semaphore(%run_scoped3A : memref<!tpu.dma_semaphore, #tpu.memory_space<semaphore_mem>>)
          %dma_wait3A_38 = tpu.memref_slice %arg5[%add3A] : memref<323584xi32, #tpu.memory_space<hbm>> -> memref<128xi32, #tpu.memory_space<hbm>>
          %dma_wait3A_39 = tpu.memref_slice %arg5[%add3A] : memref<323584xi32, #tpu.memory_space<hbm>> -> memref<128xi32, #tpu.memory_space<hbm>>
          tpu.wait_dma2 semaphore(%run_scoped3A : memref<!tpu.dma_semaphore, #tpu.memory_space<semaphore_mem>>) src(%dma_wait3A_39 : memref<128xi32, #tpu.memory_space<hbm>>) dst(%arg11 : memref<128xi32, #tpu.memory_space<vmem>>)
          tpu.yield
        }) : () -> ()
        %dma_start3A = arith.constant 0 : i32
        %dma_start3A_31 = arith.constant 0 : i32
        %dma_start3A_32 = tpu.memref_slice %arg2[%dma_start3A, %dma_start3A_31] : memref<10000x128xf32, #tpu.memory_space<hbm>> -> memref<10000x128xf32, #tpu.memory_space<hbm>>
        tpu.enqueue_indirect_dma source(%dma_start3A_32 : memref<10000x128xf32, #tpu.memory_space<hbm>>) target(%arg12 : memref<128x128xf32, #tpu.memory_space<vmem>>) offsets(%arg10 : memref<128xi32, #tpu.memory_space<vmem>>) semaphore(%arg13 : memref<!tpu.dma_semaphore, #tpu.memory_space<semaphore_mem>>)
        %dma_wait3A = arith.constant 0 : i32
        %dma_wait3A_33 = arith.constant 0 : i32
        %dma_wait3A_34 = tpu.memref_slice %arg2[%dma_wait3A, %dma_wait3A_33] : memref<10000x128xf32, #tpu.memory_space<hbm>> -> memref<10000x128xf32, #tpu.memory_space<hbm>>
        tpu.wait_indirect_dma semaphore(%arg13 : memref<!tpu.dma_semaphore, #tpu.memory_space<semaphore_mem>>) src(%dma_wait3A_34 : memref<10000x128xf32, #tpu.memory_space<hbm>>) dst(%arg12 : memref<128x128xf32, #tpu.memory_space<vmem>>)
        "tpu.region"() ({
          %run_scoped3A = tpu.sem_alloc : memref<!tpu.dma_semaphore, #tpu.memory_space<semaphore_mem>>
          %dma_start3A_36 = arith.constant 0 : i32
          %dma_start3A_37 = arith.constant 0 : i32
          %dma_start3A_38 = tpu.memref_slice %arg9[%dma_start3A_36, %dma_start3A_37] : memref<10240x128xf32, #tpu.memory_space<vmem_shared>> -> memref<10240x128xf32, #tpu.memory_space<vmem_shared>>
          tpu.enqueue_indirect_dma source(%arg12 : memref<128x128xf32, #tpu.memory_space<vmem>>) target(%dma_start3A_38 : memref<10240x128xf32, #tpu.memory_space<vmem_shared>>) offsets(%arg11 : memref<128xi32, #tpu.memory_space<vmem>>) semaphore(%run_scoped3A : memref<!tpu.dma_semaphore, #tpu.memory_space<semaphore_mem>>) {add = true}
          %dma_wait3A_39 = arith.constant 0 : i32
          %dma_wait3A_40 = arith.constant 0 : i32
          %dma_wait3A_41 = tpu.memref_slice %arg9[%dma_wait3A_39, %dma_wait3A_40] : memref<10240x128xf32, #tpu.memory_space<vmem_shared>> -> memref<10240x128xf32, #tpu.memory_space<vmem_shared>>
          tpu.wait_indirect_dma semaphore(%run_scoped3A : memref<!tpu.dma_semaphore, #tpu.memory_space<semaphore_mem>>) src(%arg12 : memref<128x128xf32, #tpu.memory_space<vmem>>) dst(%dma_wait3A_41 : memref<10240x128xf32, #tpu.memory_space<vmem_shared>>)
          tpu.yield
        }) : () -> ()
        %scan3A_35 = arith.constant 0 : i32
        scf.yield %scan3A_35 : i32
      }
      %scan3A_24 = arith.constant 158 : i32
    } else {
    }
    %eq3A_3 = arith.constant 1 : i32
    %eq3A_4 = arith.cmpi eq, %arg0, %eq3A_3 : i32
    %convert_element_type3A_5 = arith.extui %eq3A_4 : i1 to i32
    %cond3A_6 = arith.constant 0 : i32
    %cond3A_7 = arith.cmpi ne, %convert_element_type3A_5, %cond3A_6 : i32
    scf.if %cond3A_7 {
      %scan3A = arith.constant 0 : i32
      %scan3A_19 = arith.constant 0 : i32
      %scan3A_20 = arith.constant 158 : i32
      %scan3A_21 = arith.addi %scan3A_19, %scan3A_20 : i32
      %scan3A_22 = arith.constant 1 : i32
      %scan3A_23 = scf.for %scan3A_25 = %scan3A_19 to %scan3A_21 step %scan3A_22 iter_args(%scan3A_26 = %scan3A) -> (i32)  : i32 {
        %mul3A_27 = arith.constant 20224 : i32
        %mul3A_28 = arith.muli %arg1, %mul3A_27 : i32
        %mul3A_29 = arith.constant 128 : i32
        %mul3A_30 = arith.muli %scan3A_25, %mul3A_29 : i32
        %add3A = arith.addi %mul3A_28, %mul3A_30 : i32
        "tpu.region"() ({
          %run_scoped3A = tpu.sem_alloc : memref<!tpu.dma_semaphore, #tpu.memory_space<semaphore_mem>>
          %dma_start3A_36 = tpu.memref_slice %arg4[%add3A] : memref<323584xi32, #tpu.memory_space<hbm>> -> memref<128xi32, #tpu.memory_space<hbm>>
          %dma_start3A_37 = tpu.memref_slice %arg4[%add3A] : memref<323584xi32, #tpu.memory_space<hbm>> -> memref<128xi32, #tpu.memory_space<hbm>>
          tpu.enqueue_dma source(%dma_start3A_37 : memref<128xi32, #tpu.memory_space<hbm>>) target(%arg10 : memref<128xi32, #tpu.memory_space<vmem>>) target_semaphore(%run_scoped3A : memref<!tpu.dma_semaphore, #tpu.memory_space<semaphore_mem>>)
          %dma_wait3A_38 = tpu.memref_slice %arg4[%add3A] : memref<323584xi32, #tpu.memory_space<hbm>> -> memref<128xi32, #tpu.memory_space<hbm>>
          %dma_wait3A_39 = tpu.memref_slice %arg4[%add3A] : memref<323584xi32, #tpu.memory_space<hbm>> -> memref<128xi32, #tpu.memory_space<hbm>>
          tpu.wait_dma2 semaphore(%run_scoped3A : memref<!tpu.dma_semaphore, #tpu.memory_space<semaphore_mem>>) src(%dma_wait3A_39 : memref<128xi32, #tpu.memory_space<hbm>>) dst(%arg10 : memref<128xi32, #tpu.memory_space<vmem>>)
          tpu.yield
        }) : () -> ()
        "tpu.region"() ({
          %run_scoped3A = tpu.sem_alloc : memref<!tpu.dma_semaphore, #tpu.memory_space<semaphore_mem>>
          %dma_start3A_36 = tpu.memref_slice %arg5[%add3A] : memref<323584xi32, #tpu.memory_space<hbm>> -> memref<128xi32, #tpu.memory_space<hbm>>
          %dma_start3A_37 = tpu.memref_slice %arg5[%add3A] : memref<323584xi32, #tpu.memory_space<hbm>> -> memref<128xi32, #tpu.memory_space<hbm>>
          tpu.enqueue_dma source(%dma_start3A_37 : memref<128xi32, #tpu.memory_space<hbm>>) target(%arg11 : memref<128xi32, #tpu.memory_space<vmem>>) target_semaphore(%run_scoped3A : memref<!tpu.dma_semaphore, #tpu.memory_space<semaphore_mem>>)
          %dma_wait3A_38 = tpu.memref_slice %arg5[%add3A] : memref<323584xi32, #tpu.memory_space<hbm>> -> memref<128xi32, #tpu.memory_space<hbm>>
          %dma_wait3A_39 = tpu.memref_slice %arg5[%add3A] : memref<323584xi32, #tpu.memory_space<hbm>> -> memref<128xi32, #tpu.memory_space<hbm>>
          tpu.wait_dma2 semaphore(%run_scoped3A : memref<!tpu.dma_semaphore, #tpu.memory_space<semaphore_mem>>) src(%dma_wait3A_39 : memref<128xi32, #tpu.memory_space<hbm>>) dst(%arg11 : memref<128xi32, #tpu.memory_space<vmem>>)
          tpu.yield
        }) : () -> ()
        %dma_start3A = arith.constant 0 : i32
        %dma_start3A_31 = arith.constant 0 : i32
        %dma_start3A_32 = tpu.memref_slice %arg3[%dma_start3A, %dma_start3A_31] : memref<10000x128xf32, #tpu.memory_space<hbm>> -> memref<10000x128xf32, #tpu.memory_space<hbm>>
        tpu.enqueue_indirect_dma source(%dma_start3A_32 : memref<10000x128xf32, #tpu.memory_space<hbm>>) target(%arg12 : memref<128x128xf32, #tpu.memory_space<vmem>>) offsets(%arg10 : memref<128xi32, #tpu.memory_space<vmem>>) semaphore(%arg13 : memref<!tpu.dma_semaphore, #tpu.memory_space<semaphore_mem>>)
        %dma_wait3A = arith.constant 0 : i32
        %dma_wait3A_33 = arith.constant 0 : i32
        %dma_wait3A_34 = tpu.memref_slice %arg3[%dma_wait3A, %dma_wait3A_33] : memref<10000x128xf32, #tpu.memory_space<hbm>> -> memref<10000x128xf32, #tpu.memory_space<hbm>>
        tpu.wait_indirect_dma semaphore(%arg13 : memref<!tpu.dma_semaphore, #tpu.memory_space<semaphore_mem>>) src(%dma_wait3A_34 : memref<10000x128xf32, #tpu.memory_space<hbm>>) dst(%arg12 : memref<128x128xf32, #tpu.memory_space<vmem>>)
        "tpu.region"() ({
          %run_scoped3A = tpu.sem_alloc : memref<!tpu.dma_semaphore, #tpu.memory_space<semaphore_mem>>
          %dma_start3A_36 = arith.constant 0 : i32
          %dma_start3A_37 = arith.constant 0 : i32
          %dma_start3A_38 = tpu.memref_slice %arg9[%dma_start3A_36, %dma_start3A_37] : memref<10240x128xf32, #tpu.memory_space<vmem_shared>> -> memref<10240x128xf32, #tpu.memory_space<vmem_shared>>
          tpu.enqueue_indirect_dma source(%arg12 : memref<128x128xf32, #tpu.memory_space<vmem>>) target(%dma_start3A_38 : memref<10240x128xf32, #tpu.memory_space<vmem_shared>>) offsets(%arg11 : memref<128xi32, #tpu.memory_space<vmem>>) semaphore(%run_scoped3A : memref<!tpu.dma_semaphore, #tpu.memory_space<semaphore_mem>>) {add = true}
          %dma_wait3A_39 = arith.constant 0 : i32
          %dma_wait3A_40 = arith.constant 0 : i32
          %dma_wait3A_41 = tpu.memref_slice %arg9[%dma_wait3A_39, %dma_wait3A_40] : memref<10240x128xf32, #tpu.memory_space<vmem_shared>> -> memref<10240x128xf32, #tpu.memory_space<vmem_shared>>
          tpu.wait_indirect_dma semaphore(%run_scoped3A : memref<!tpu.dma_semaphore, #tpu.memory_space<semaphore_mem>>) src(%arg12 : memref<128x128xf32, #tpu.memory_space<vmem>>) dst(%dma_wait3A_41 : memref<10240x128xf32, #tpu.memory_space<vmem_shared>>)
          tpu.yield
        }) : () -> ()
        %scan3A_35 = arith.constant 0 : i32
        scf.yield %scan3A_35 : i32
      }
      %scan3A_24 = arith.constant 158 : i32
    } else {
    }
    %barrier3A_8 = arith.constant 0 : index
    tpu.barrier barrier_id(%barrier3A_8)
    %eq3A_9 = arith.constant 0 : i32
    %eq3A_10 = arith.cmpi eq, %arg0, %eq3A_9 : i32
    %convert_element_type3A_11 = arith.extui %eq3A_10 : i1 to i32
    %cond3A_12 = arith.constant 0 : i32
    %cond3A_13 = arith.cmpi ne, %convert_element_type3A_11, %cond3A_12 : i32
    scf.if %cond3A_13 {
      "tpu.region"() ({
        %run_scoped3A = tpu.sem_alloc : memref<!tpu.dma_semaphore, #tpu.memory_space<semaphore_mem>>
        %dma_start3A = arith.constant 0 : i32
        %dma_start3A_19 = tpu.memref_slice %arg7[%mul3A_0, %dma_start3A] : memref<10240x128xf32, #tpu.memory_space<hbm>> -> memref<640x128xf32, #tpu.memory_space<hbm>>
        %dma_start3A_20 = arith.constant 0 : i32
        %dma_start3A_21 = tpu.memref_slice %arg9[%mul3A_0, %dma_start3A_20] : memref<10240x128xf32, #tpu.memory_space<vmem_shared>> -> memref<640x128xf32, #tpu.memory_space<vmem_shared>>
        tpu.enqueue_dma source(%dma_start3A_21 : memref<640x128xf32, #tpu.memory_space<vmem_shared>>) target(%dma_start3A_19 : memref<640x128xf32, #tpu.memory_space<hbm>>) target_semaphore(%run_scoped3A : memref<!tpu.dma_semaphore, #tpu.memory_space<semaphore_mem>>)
        %dma_wait3A = arith.constant 0 : i32
        %dma_wait3A_22 = tpu.memref_slice %arg7[%mul3A_0, %dma_wait3A] : memref<10240x128xf32, #tpu.memory_space<hbm>> -> memref<640x128xf32, #tpu.memory_space<hbm>>
        %dma_wait3A_23 = arith.constant 0 : i32
        %dma_wait3A_24 = tpu.memref_slice %arg9[%mul3A_0, %dma_wait3A_23] : memref<10240x128xf32, #tpu.memory_space<vmem_shared>> -> memref<640x128xf32, #tpu.memory_space<vmem_shared>>
        tpu.wait_dma2 semaphore(%run_scoped3A : memref<!tpu.dma_semaphore, #tpu.memory_space<semaphore_mem>>) src(%dma_wait3A_24 : memref<640x128xf32, #tpu.memory_space<vmem_shared>>) dst(%dma_wait3A_22 : memref<640x128xf32, #tpu.memory_space<hbm>>)
        tpu.yield
      }) : () -> ()
    } else {
    }
    %eq3A_14 = arith.constant 1 : i32
    %eq3A_15 = arith.cmpi eq, %arg0, %eq3A_14 : i32
    %convert_element_type3A_16 = arith.extui %eq3A_15 : i1 to i32
    %cond3A_17 = arith.constant 0 : i32
    %cond3A_18 = arith.cmpi ne, %convert_element_type3A_16, %cond3A_17 : i32
    scf.if %cond3A_18 {
      "tpu.region"() ({
        %run_scoped3A = tpu.sem_alloc : memref<!tpu.dma_semaphore, #tpu.memory_space<semaphore_mem>>
        %dma_start3A = arith.constant 0 : i32
        %dma_start3A_19 = tpu.memref_slice %arg8[%mul3A_0, %dma_start3A] : memref<10240x128xf32, #tpu.memory_space<hbm>> -> memref<640x128xf32, #tpu.memory_space<hbm>>
        %dma_start3A_20 = arith.constant 0 : i32
        %dma_start3A_21 = tpu.memref_slice %arg9[%mul3A_0, %dma_start3A_20] : memref<10240x128xf32, #tpu.memory_space<vmem_shared>> -> memref<640x128xf32, #tpu.memory_space<vmem_shared>>
        tpu.enqueue_dma source(%dma_start3A_21 : memref<640x128xf32, #tpu.memory_space<vmem_shared>>) target(%dma_start3A_19 : memref<640x128xf32, #tpu.memory_space<hbm>>) target_semaphore(%run_scoped3A : memref<!tpu.dma_semaphore, #tpu.memory_space<semaphore_mem>>)
        %dma_wait3A = arith.constant 0 : i32
        %dma_wait3A_22 = tpu.memref_slice %arg8[%mul3A_0, %dma_wait3A] : memref<10240x128xf32, #tpu.memory_space<hbm>> -> memref<640x128xf32, #tpu.memory_space<hbm>>
        %dma_wait3A_23 = arith.constant 0 : i32
        %dma_wait3A_24 = tpu.memref_slice %arg9[%mul3A_0, %dma_wait3A_23] : memref<10240x128xf32, #tpu.memory_space<vmem_shared>> -> memref<640x128xf32, #tpu.memory_space<vmem_shared>>
        tpu.wait_dma2 semaphore(%run_scoped3A : memref<!tpu.dma_semaphore, #tpu.memory_space<semaphore_mem>>) src(%dma_wait3A_24 : memref<640x128xf32, #tpu.memory_space<vmem_shared>>) dst(%dma_wait3A_22 : memref<640x128xf32, #tpu.memory_space<hbm>>)
        tpu.yield
      }) : () -> ()
    } else {
    }
    return
  }
}

#map = affine_map<(d0, d1) -> (0, 0)>
#map1 = affine_map<(d0, d1) -> (0)>
module attributes {stable_mosaic.version = 14 : i64} {
  func.func @body(%arg0: i32, %arg1: i32, %arg2: memref<10000x128xf32, #tpu.memory_space<hbm>>, %arg3: memref<10000x128xf32, #tpu.memory_space<hbm>>, %arg4: memref<323584xi32, #tpu.memory_space<hbm>>, %arg5: memref<323584xi32, #tpu.memory_space<hbm>>, %arg6: memref<10240x128xf32, #tpu.memory_space<hbm>>, %arg7: memref<10240x128xf32, #tpu.memory_space<hbm>>, %arg8: memref<10240x128xf32, #tpu.memory_space<hbm>>, %arg9: memref<10240x128xf32, #tpu.memory_space<vmem_shared>>, %arg10: memref<128xi32, #tpu.memory_space<vmem>>, %arg11: memref<128xi32, #tpu.memory_space<vmem>>, %arg12: memref<128x128xf32, #tpu.memory_space<vmem>>, %arg13: memref<!tpu.dma_semaphore, #tpu.memory_space<semaphore_mem>>) attributes {dimension_semantics = [#tpu.dimension_semantics<core_parallel>, #tpu.dimension_semantics<subcore_parallel>], iteration_bounds = array<i64: 2, 16>, scalar_prefetch = 0 : i64, scratch_operands = 5 : i64, tpu.core_type = #tpu.core_type<sc_vector_subcore>, window_params = [{transform_indices = #map}, {transform_indices = #map}, {transform_indices = #map1}, {transform_indices = #map1}, {transform_indices = #map}, {transform_indices = #map}, {transform_indices = #map}]} {
    %mul3A = arith.constant 640 : i32
    %mul3A_0 = arith.muli %arg1, %mul3A : i32
    "tpu.region"() ({
      %run_scoped3A = tpu.sem_alloc : memref<!tpu.dma_semaphore, #tpu.memory_space<semaphore_mem>>
      %dma_start3A = arith.constant 0 : i32
      %dma_start3A_19 = tpu.memref_slice %arg9[%mul3A_0, %dma_start3A] : memref<10240x128xf32, #tpu.memory_space<vmem_shared>> -> memref<640x128xf32, #tpu.memory_space<vmem_shared>>
      %dma_start3A_20 = arith.constant 0 : i32
      %dma_start3A_21 = tpu.memref_slice %arg6[%mul3A_0, %dma_start3A_20] : memref<10240x128xf32, #tpu.memory_space<hbm>> -> memref<640x128xf32, #tpu.memory_space<hbm>>
      tpu.enqueue_dma source(%dma_start3A_21 : memref<640x128xf32, #tpu.memory_space<hbm>>) target(%dma_start3A_19 : memref<640x128xf32, #tpu.memory_space<vmem_shared>>) target_semaphore(%run_scoped3A : memref<!tpu.dma_semaphore, #tpu.memory_space<semaphore_mem>>)
      %dma_wait3A = arith.constant 0 : i32
      %dma_wait3A_22 = tpu.memref_slice %arg9[%mul3A_0, %dma_wait3A] : memref<10240x128xf32, #tpu.memory_space<vmem_shared>> -> memref<640x128xf32, #tpu.memory_space<vmem_shared>>
      %dma_wait3A_23 = arith.constant 0 : i32
      %dma_wait3A_24 = tpu.memref_slice %arg6[%mul3A_0, %dma_wait3A_23] : memref<10240x128xf32, #tpu.memory_space<hbm>> -> memref<640x128xf32, #tpu.memory_space<hbm>>
      tpu.wait_dma2 semaphore(%run_scoped3A : memref<!tpu.dma_semaphore, #tpu.memory_space<semaphore_mem>>) src(%dma_wait3A_24 : memref<640x128xf32, #tpu.memory_space<hbm>>) dst(%dma_wait3A_22 : memref<640x128xf32, #tpu.memory_space<vmem_shared>>)
      tpu.yield
    }) : () -> ()
    %barrier3A = arith.constant 0 : index
    tpu.barrier barrier_id(%barrier3A)
    %eq3A = arith.constant 0 : i32
    %eq3A_1 = arith.cmpi eq, %arg0, %eq3A : i32
    %convert_element_type3A = arith.extui %eq3A_1 : i1 to i32
    %cond3A = arith.constant 0 : i32
    %cond3A_2 = arith.cmpi ne, %convert_element_type3A, %cond3A : i32
    scf.if %cond3A_2 {
      %scan3A = arith.constant 0 : i32
      %scan3A_19 = arith.constant 0 : i32
      %scan3A_20 = arith.constant 158 : i32
      %scan3A_21 = arith.addi %scan3A_19, %scan3A_20 : i32
      %scan3A_22 = arith.constant 1 : i32
      %scan3A_23 = scf.for %scan3A_25 = %scan3A_19 to %scan3A_21 step %scan3A_22 iter_args(%scan3A_26 = %scan3A) -> (i32)  : i32 {
        %mul3A_27 = arith.constant 20224 : i32
        %mul3A_28 = arith.muli %arg1, %mul3A_27 : i32
        %mul3A_29 = arith.constant 128 : i32
        %mul3A_30 = arith.muli %scan3A_25, %mul3A_29 : i32
        %add3A = arith.addi %mul3A_28, %mul3A_30 : i32
        "tpu.region"() ({
          %run_scoped3A = tpu.sem_alloc : memref<!tpu.dma_semaphore, #tpu.memory_space<semaphore_mem>>
          %dma_start3A_36 = tpu.memref_slice %arg4[%add3A] : memref<323584xi32, #tpu.memory_space<hbm>> -> memref<128xi32, #tpu.memory_space<hbm>>
          %dma_start3A_37 = tpu.memref_slice %arg4[%add3A] : memref<323584xi32, #tpu.memory_space<hbm>> -> memref<128xi32, #tpu.memory_space<hbm>>
          tpu.enqueue_dma source(%dma_start3A_37 : memref<128xi32, #tpu.memory_space<hbm>>) target(%arg10 : memref<128xi32, #tpu.memory_space<vmem>>) target_semaphore(%run_scoped3A : memref<!tpu.dma_semaphore, #tpu.memory_space<semaphore_mem>>)
          %dma_wait3A_38 = tpu.memref_slice %arg4[%add3A] : memref<323584xi32, #tpu.memory_space<hbm>> -> memref<128xi32, #tpu.memory_space<hbm>>
          %dma_wait3A_39 = tpu.memref_slice %arg4[%add3A] : memref<323584xi32, #tpu.memory_space<hbm>> -> memref<128xi32, #tpu.memory_space<hbm>>
          tpu.wait_dma2 semaphore(%run_scoped3A : memref<!tpu.dma_semaphore, #tpu.memory_space<semaphore_mem>>) src(%dma_wait3A_39 : memref<128xi32, #tpu.memory_space<hbm>>) dst(%arg10 : memref<128xi32, #tpu.memory_space<vmem>>)
          tpu.yield
        }) : () -> ()
        "tpu.region"() ({
          %run_scoped3A = tpu.sem_alloc : memref<!tpu.dma_semaphore, #tpu.memory_space<semaphore_mem>>
          %dma_start3A_36 = tpu.memref_slice %arg5[%add3A] : memref<323584xi32, #tpu.memory_space<hbm>> -> memref<128xi32, #tpu.memory_space<hbm>>
          %dma_start3A_37 = tpu.memref_slice %arg5[%add3A] : memref<323584xi32, #tpu.memory_space<hbm>> -> memref<128xi32, #tpu.memory_space<hbm>>
          tpu.enqueue_dma source(%dma_start3A_37 : memref<128xi32, #tpu.memory_space<hbm>>) target(%arg11 : memref<128xi32, #tpu.memory_space<vmem>>) target_semaphore(%run_scoped3A : memref<!tpu.dma_semaphore, #tpu.memory_space<semaphore_mem>>)
          %dma_wait3A_38 = tpu.memref_slice %arg5[%add3A] : memref<323584xi32, #tpu.memory_space<hbm>> -> memref<128xi32, #tpu.memory_space<hbm>>
          %dma_wait3A_39 = tpu.memref_slice %arg5[%add3A] : memref<323584xi32, #tpu.memory_space<hbm>> -> memref<128xi32, #tpu.memory_space<hbm>>
          tpu.wait_dma2 semaphore(%run_scoped3A : memref<!tpu.dma_semaphore, #tpu.memory_space<semaphore_mem>>) src(%dma_wait3A_39 : memref<128xi32, #tpu.memory_space<hbm>>) dst(%arg11 : memref<128xi32, #tpu.memory_space<vmem>>)
          tpu.yield
        }) : () -> ()
        %dma_start3A = arith.constant 0 : i32
        %dma_start3A_31 = arith.constant 0 : i32
        %dma_start3A_32 = tpu.memref_slice %arg2[%dma_start3A, %dma_start3A_31] : memref<10000x128xf32, #tpu.memory_space<hbm>> -> memref<10000x128xf32, #tpu.memory_space<hbm>>
        tpu.enqueue_indirect_dma source(%dma_start3A_32 : memref<10000x128xf32, #tpu.memory_space<hbm>>) target(%arg12 : memref<128x128xf32, #tpu.memory_space<vmem>>) offsets(%arg10 : memref<128xi32, #tpu.memory_space<vmem>>) semaphore(%arg13 : memref<!tpu.dma_semaphore, #tpu.memory_space<semaphore_mem>>)
        %dma_wait3A = arith.constant 0 : i32
        %dma_wait3A_33 = arith.constant 0 : i32
        %dma_wait3A_34 = tpu.memref_slice %arg2[%dma_wait3A, %dma_wait3A_33] : memref<10000x128xf32, #tpu.memory_space<hbm>> -> memref<10000x128xf32, #tpu.memory_space<hbm>>
        tpu.wait_indirect_dma semaphore(%arg13 : memref<!tpu.dma_semaphore, #tpu.memory_space<semaphore_mem>>) src(%dma_wait3A_34 : memref<10000x128xf32, #tpu.memory_space<hbm>>) dst(%arg12 : memref<128x128xf32, #tpu.memory_space<vmem>>)
        "tpu.region"() ({
          %run_scoped3A = tpu.sem_alloc : memref<!tpu.dma_semaphore, #tpu.memory_space<semaphore_mem>>
          %dma_start3A_36 = arith.constant 0 : i32
          %dma_start3A_37 = arith.constant 0 : i32
          %dma_start3A_38 = tpu.memref_slice %arg9[%dma_start3A_36, %dma_start3A_37] : memref<10240x128xf32, #tpu.memory_space<vmem_shared>> -> memref<10240x128xf32, #tpu.memory_space<vmem_shared>>
          tpu.enqueue_indirect_dma source(%arg12 : memref<128x128xf32, #tpu.memory_space<vmem>>) target(%dma_start3A_38 : memref<10240x128xf32, #tpu.memory_space<vmem_shared>>) offsets(%arg11 : memref<128xi32, #tpu.memory_space<vmem>>) semaphore(%run_scoped3A : memref<!tpu.dma_semaphore, #tpu.memory_space<semaphore_mem>>) {add = true}
          %dma_wait3A_39 = arith.constant 0 : i32
          %dma_wait3A_40 = arith.constant 0 : i32
          %dma_wait3A_41 = tpu.memref_slice %arg9[%dma_wait3A_39, %dma_wait3A_40] : memref<10240x128xf32, #tpu.memory_space<vmem_shared>> -> memref<10240x128xf32, #tpu.memory_space<vmem_shared>>
          tpu.wait_indirect_dma semaphore(%run_scoped3A : memref<!tpu.dma_semaphore, #tpu.memory_space<semaphore_mem>>) src(%arg12 : memref<128x128xf32, #tpu.memory_space<vmem>>) dst(%dma_wait3A_41 : memref<10240x128xf32, #tpu.memory_space<vmem_shared>>)
          tpu.yield
        }) : () -> ()
        %scan3A_35 = arith.constant 0 : i32
        scf.yield %scan3A_35 : i32
      }
      %scan3A_24 = arith.constant 158 : i32
    } else {
    }
    %eq3A_3 = arith.constant 1 : i32
    %eq3A_4 = arith.cmpi eq, %arg0, %eq3A_3 : i32
    %convert_element_type3A_5 = arith.extui %eq3A_4 : i1 to i32
    %cond3A_6 = arith.constant 0 : i32
    %cond3A_7 = arith.cmpi ne, %convert_element_type3A_5, %cond3A_6 : i32
    scf.if %cond3A_7 {
      %scan3A = arith.constant 0 : i32
      %scan3A_19 = arith.constant 0 : i32
      %scan3A_20 = arith.constant 158 : i32
      %scan3A_21 = arith.addi %scan3A_19, %scan3A_20 : i32
      %scan3A_22 = arith.constant 1 : i32
      %scan3A_23 = scf.for %scan3A_25 = %scan3A_19 to %scan3A_21 step %scan3A_22 iter_args(%scan3A_26 = %scan3A) -> (i32)  : i32 {
        %mul3A_27 = arith.constant 20224 : i32
        %mul3A_28 = arith.muli %arg1, %mul3A_27 : i32
        %mul3A_29 = arith.constant 128 : i32
        %mul3A_30 = arith.muli %scan3A_25, %mul3A_29 : i32
        %add3A = arith.addi %mul3A_28, %mul3A_30 : i32
        "tpu.region"() ({
          %run_scoped3A = tpu.sem_alloc : memref<!tpu.dma_semaphore, #tpu.memory_space<semaphore_mem>>
          %dma_start3A_36 = tpu.memref_slice %arg4[%add3A] : memref<323584xi32, #tpu.memory_space<hbm>> -> memref<128xi32, #tpu.memory_space<hbm>>
          %dma_start3A_37 = tpu.memref_slice %arg4[%add3A] : memref<323584xi32, #tpu.memory_space<hbm>> -> memref<128xi32, #tpu.memory_space<hbm>>
          tpu.enqueue_dma source(%dma_start3A_37 : memref<128xi32, #tpu.memory_space<hbm>>) target(%arg10 : memref<128xi32, #tpu.memory_space<vmem>>) target_semaphore(%run_scoped3A : memref<!tpu.dma_semaphore, #tpu.memory_space<semaphore_mem>>)
          %dma_wait3A_38 = tpu.memref_slice %arg4[%add3A] : memref<323584xi32, #tpu.memory_space<hbm>> -> memref<128xi32, #tpu.memory_space<hbm>>
          %dma_wait3A_39 = tpu.memref_slice %arg4[%add3A] : memref<323584xi32, #tpu.memory_space<hbm>> -> memref<128xi32, #tpu.memory_space<hbm>>
          tpu.wait_dma2 semaphore(%run_scoped3A : memref<!tpu.dma_semaphore, #tpu.memory_space<semaphore_mem>>) src(%dma_wait3A_39 : memref<128xi32, #tpu.memory_space<hbm>>) dst(%arg10 : memref<128xi32, #tpu.memory_space<vmem>>)
          tpu.yield
        }) : () -> ()
        "tpu.region"() ({
          %run_scoped3A = tpu.sem_alloc : memref<!tpu.dma_semaphore, #tpu.memory_space<semaphore_mem>>
          %dma_start3A_36 = tpu.memref_slice %arg5[%add3A] : memref<323584xi32, #tpu.memory_space<hbm>> -> memref<128xi32, #tpu.memory_space<hbm>>
          %dma_start3A_37 = tpu.memref_slice %arg5[%add3A] : memref<323584xi32, #tpu.memory_space<hbm>> -> memref<128xi32, #tpu.memory_space<hbm>>
          tpu.enqueue_dma source(%dma_start3A_37 : memref<128xi32, #tpu.memory_space<hbm>>) target(%arg11 : memref<128xi32, #tpu.memory_space<vmem>>) target_semaphore(%run_scoped3A : memref<!tpu.dma_semaphore, #tpu.memory_space<semaphore_mem>>)
          %dma_wait3A_38 = tpu.memref_slice %arg5[%add3A] : memref<323584xi32, #tpu.memory_space<hbm>> -> memref<128xi32, #tpu.memory_space<hbm>>
          %dma_wait3A_39 = tpu.memref_slice %arg5[%add3A] : memref<323584xi32, #tpu.memory_space<hbm>> -> memref<128xi32, #tpu.memory_space<hbm>>
          tpu.wait_dma2 semaphore(%run_scoped3A : memref<!tpu.dma_semaphore, #tpu.memory_space<semaphore_mem>>) src(%dma_wait3A_39 : memref<128xi32, #tpu.memory_space<hbm>>) dst(%arg11 : memref<128xi32, #tpu.memory_space<vmem>>)
          tpu.yield
        }) : () -> ()
        %dma_start3A = arith.constant 0 : i32
        %dma_start3A_31 = arith.constant 0 : i32
        %dma_start3A_32 = tpu.memref_slice %arg3[%dma_start3A, %dma_start3A_31] : memref<10000x128xf32, #tpu.memory_space<hbm>> -> memref<10000x128xf32, #tpu.memory_space<hbm>>
        tpu.enqueue_indirect_dma source(%dma_start3A_32 : memref<10000x128xf32, #tpu.memory_space<hbm>>) target(%arg12 : memref<128x128xf32, #tpu.memory_space<vmem>>) offsets(%arg10 : memref<128xi32, #tpu.memory_space<vmem>>) semaphore(%arg13 : memref<!tpu.dma_semaphore, #tpu.memory_space<semaphore_mem>>)
        %dma_wait3A = arith.constant 0 : i32
        %dma_wait3A_33 = arith.constant 0 : i32
        %dma_wait3A_34 = tpu.memref_slice %arg3[%dma_wait3A, %dma_wait3A_33] : memref<10000x128xf32, #tpu.memory_space<hbm>> -> memref<10000x128xf32, #tpu.memory_space<hbm>>
        tpu.wait_indirect_dma semaphore(%arg13 : memref<!tpu.dma_semaphore, #tpu.memory_space<semaphore_mem>>) src(%dma_wait3A_34 : memref<10000x128xf32, #tpu.memory_space<hbm>>) dst(%arg12 : memref<128x128xf32, #tpu.memory_space<vmem>>)
        "tpu.region"() ({
          %run_scoped3A = tpu.sem_alloc : memref<!tpu.dma_semaphore, #tpu.memory_space<semaphore_mem>>
          %dma_start3A_36 = arith.constant 0 : i32
          %dma_start3A_37 = arith.constant 0 : i32
          %dma_start3A_38 = tpu.memref_slice %arg9[%dma_start3A_36, %dma_start3A_37] : memref<10240x128xf32, #tpu.memory_space<vmem_shared>> -> memref<10240x128xf32, #tpu.memory_space<vmem_shared>>
          tpu.enqueue_indirect_dma source(%arg12 : memref<128x128xf32, #tpu.memory_space<vmem>>) target(%dma_start3A_38 : memref<10240x128xf32, #tpu.memory_space<vmem_shared>>) offsets(%arg11 : memref<128xi32, #tpu.memory_space<vmem>>) semaphore(%run_scoped3A : memref<!tpu.dma_semaphore, #tpu.memory_space<semaphore_mem>>) {add = true}
          %dma_wait3A_39 = arith.constant 0 : i32
          %dma_wait3A_40 = arith.constant 0 : i32
          %dma_wait3A_41 = tpu.memref_slice %arg9[%dma_wait3A_39, %dma_wait3A_40] : memref<10240x128xf32, #tpu.memory_space<vmem_shared>> -> memref<10240x128xf32, #tpu.memory_space<vmem_shared>>
          tpu.wait_indirect_dma semaphore(%run_scoped3A : memref<!tpu.dma_semaphore, #tpu.memory_space<semaphore_mem>>) src(%arg12 : memref<128x128xf32, #tpu.memory_space<vmem>>) dst(%dma_wait3A_41 : memref<10240x128xf32, #tpu.memory_space<vmem_shared>>)
          tpu.yield
        }) : () -> ()
        %scan3A_35 = arith.constant 0 : i32
        scf.yield %scan3A_35 : i32
      }
      %scan3A_24 = arith.constant 158 : i32
    } else {
    }
    %barrier3A_8 = arith.constant 0 : index
    tpu.barrier barrier_id(%barrier3A_8)
    %eq3A_9 = arith.constant 0 : i32
    %eq3A_10 = arith.cmpi eq, %arg0, %eq3A_9 : i32
    %convert_element_type3A_11 = arith.extui %eq3A_10 : i1 to i32
    %cond3A_12 = arith.constant 0 : i32
    %cond3A_13 = arith.cmpi ne, %convert_element_type3A_11, %cond3A_12 : i32
    scf.if %cond3A_13 {
      "tpu.region"() ({
        %run_scoped3A = tpu.sem_alloc : memref<!tpu.dma_semaphore, #tpu.memory_space<semaphore_mem>>
        %dma_start3A = arith.constant 0 : i32
        %dma_start3A_19 = tpu.memref_slice %arg7[%mul3A_0, %dma_start3A] : memref<10240x128xf32, #tpu.memory_space<hbm>> -> memref<640x128xf32, #tpu.memory_space<hbm>>
        %dma_start3A_20 = arith.constant 0 : i32
        %dma_start3A_21 = tpu.memref_slice %arg9[%mul3A_0, %dma_start3A_20] : memref<10240x128xf32, #tpu.memory_space<vmem_shared>> -> memref<640x128xf32, #tpu.memory_space<vmem_shared>>
        tpu.enqueue_dma source(%dma_start3A_21 : memref<640x128xf32, #tpu.memory_space<vmem_shared>>) target(%dma_start3A_19 : memref<640x128xf32, #tpu.memory_space<hbm>>) target_semaphore(%run_scoped3A : memref<!tpu.dma_semaphore, #tpu.memory_space<semaphore_mem>>)
        %dma_wait3A = arith.constant 0 : i32
        %dma_wait3A_22 = tpu.memref_slice %arg7[%mul3A_0, %dma_wait3A] : memref<10240x128xf32, #tpu.memory_space<hbm>> -> memref<640x128xf32, #tpu.memory_space<hbm>>
        %dma_wait3A_23 = arith.constant 0 : i32
        %dma_wait3A_24 = tpu.memref_slice %arg9[%mul3A_0, %dma_wait3A_23] : memref<10240x128xf32, #tpu.memory_space<vmem_shared>> -> memref<640x128xf32, #tpu.memory_space<vmem_shared>>
        tpu.wait_dma2 semaphore(%run_scoped3A : memref<!tpu.dma_semaphore, #tpu.memory_space<semaphore_mem>>) src(%dma_wait3A_24 : memref<640x128xf32, #tpu.memory_space<vmem_shared>>) dst(%dma_wait3A_22 : memref<640x128xf32, #tpu.memory_space<hbm>>)
        tpu.yield
      }) : () -> ()
    } else {
    }
    %eq3A_14 = arith.constant 1 : i32
    %eq3A_15 = arith.cmpi eq, %arg0, %eq3A_14 : i32
    %convert_element_type3A_16 = arith.extui %eq3A_15 : i1 to i32
    %cond3A_17 = arith.constant 0 : i32
    %cond3A_18 = arith.cmpi ne, %convert_element_type3A_16, %cond3A_17 : i32
    scf.if %cond3A_18 {
      "tpu.region"() ({
        %run_scoped3A = tpu.sem_alloc : memref<!tpu.dma_semaphore, #tpu.memory_space<semaphore_mem>>
        %dma_start3A = arith.constant 0 : i32
        %dma_start3A_19 = tpu.memref_slice %arg8[%mul3A_0, %dma_start3A] : memref<10240x128xf32, #tpu.memory_space<hbm>> -> memref<640x128xf32, #tpu.memory_space<hbm>>
        %dma_start3A_20 = arith.constant 0 : i32
        %dma_start3A_21 = tpu.memref_slice %arg9[%mul3A_0, %dma_start3A_20] : memref<10240x128xf32, #tpu.memory_space<vmem_shared>> -> memref<640x128xf32, #tpu.memory_space<vmem_shared>>
        tpu.enqueue_dma source(%dma_start3A_21 : memref<640x128xf32, #tpu.memory_space<vmem_shared>>) target(%dma_start3A_19 : memref<640x128xf32, #tpu.memory_space<hbm>>) target_semaphore(%run_scoped3A : memref<!tpu.dma_semaphore, #tpu.memory_space<semaphore_mem>>)
        %dma_wait3A = arith.constant 0 : i32
        %dma_wait3A_22 = tpu.memref_slice %arg8[%mul3A_0, %dma_wait3A] : memref<10240x128xf32, #tpu.memory_space<hbm>> -> memref<640x128xf32, #tpu.memory_space<hbm>>
        %dma_wait3A_23 = arith.constant 0 : i32
        %dma_wait3A_24 = tpu.memref_slice %arg9[%mul3A_0, %dma_wait3A_23] : memref<10240x128xf32, #tpu.memory_space<vmem_shared>> -> memref<640x128xf32, #tpu.memory_space<vmem_shared>>
        tpu.wait_dma2 semaphore(%run_scoped3A : memref<!tpu.dma_semaphore, #tpu.memory_space<semaphore_mem>>) src(%dma_wait3A_24 : memref<640x128xf32, #tpu.memory_space<vmem_shared>>) dst(%dma_wait3A_22 : memref<640x128xf32, #tpu.memory_space<hbm>>)
        tpu.yield
      }) : () -> ()
    } else {
    }
    return
  }
}

#map = affine_map<(d0, d1) -> (0, 0)>
#map1 = affine_map<(d0, d1) -> (0)>
module attributes {stable_mosaic.version = 14 : i64} {
  func.func @body(%arg0: i32, %arg1: i32, %arg2: memref<10000x128xf32, #tpu.memory_space<hbm>>, %arg3: memref<10000x128xf32, #tpu.memory_space<hbm>>, %arg4: memref<323584xi32, #tpu.memory_space<hbm>>, %arg5: memref<323584xi32, #tpu.memory_space<hbm>>, %arg6: memref<10240x128xf32, #tpu.memory_space<hbm>>, %arg7: memref<10240x128xf32, #tpu.memory_space<hbm>>, %arg8: memref<10240x128xf32, #tpu.memory_space<hbm>>, %arg9: memref<10240x128xf32, #tpu.memory_space<vmem_shared>>, %arg10: memref<128xi32, #tpu.memory_space<vmem>>, %arg11: memref<128xi32, #tpu.memory_space<vmem>>, %arg12: memref<128x128xf32, #tpu.memory_space<vmem>>, %arg13: memref<!tpu.dma_semaphore, #tpu.memory_space<semaphore_mem>>) attributes {dimension_semantics = [#tpu.dimension_semantics<core_parallel>, #tpu.dimension_semantics<subcore_parallel>], iteration_bounds = array<i64: 2, 16>, scalar_prefetch = 0 : i64, scratch_operands = 5 : i64, tpu.core_type = #tpu.core_type<sc_vector_subcore>, window_params = [{transform_indices = #map}, {transform_indices = #map}, {transform_indices = #map1}, {transform_indices = #map1}, {transform_indices = #map}, {transform_indices = #map}, {transform_indices = #map}]} {
    %mul3A = arith.constant 640 : i32
    %mul3A_0 = arith.muli %arg1, %mul3A : i32
    "tpu.region"() ({
      %run_scoped3A = tpu.sem_alloc : memref<!tpu.dma_semaphore, #tpu.memory_space<semaphore_mem>>
      %dma_start3A = arith.constant 0 : i32
      %dma_start3A_19 = tpu.memref_slice %arg9[%mul3A_0, %dma_start3A] : memref<10240x128xf32, #tpu.memory_space<vmem_shared>> -> memref<640x128xf32, #tpu.memory_space<vmem_shared>>
      %dma_start3A_20 = arith.constant 0 : i32
      %dma_start3A_21 = tpu.memref_slice %arg6[%mul3A_0, %dma_start3A_20] : memref<10240x128xf32, #tpu.memory_space<hbm>> -> memref<640x128xf32, #tpu.memory_space<hbm>>
      tpu.enqueue_dma source(%dma_start3A_21 : memref<640x128xf32, #tpu.memory_space<hbm>>) target(%dma_start3A_19 : memref<640x128xf32, #tpu.memory_space<vmem_shared>>) target_semaphore(%run_scoped3A : memref<!tpu.dma_semaphore, #tpu.memory_space<semaphore_mem>>)
      %dma_wait3A = arith.constant 0 : i32
      %dma_wait3A_22 = tpu.memref_slice %arg9[%mul3A_0, %dma_wait3A] : memref<10240x128xf32, #tpu.memory_space<vmem_shared>> -> memref<640x128xf32, #tpu.memory_space<vmem_shared>>
      %dma_wait3A_23 = arith.constant 0 : i32
      %dma_wait3A_24 = tpu.memref_slice %arg6[%mul3A_0, %dma_wait3A_23] : memref<10240x128xf32, #tpu.memory_space<hbm>> -> memref<640x128xf32, #tpu.memory_space<hbm>>
      tpu.wait_dma2 semaphore(%run_scoped3A : memref<!tpu.dma_semaphore, #tpu.memory_space<semaphore_mem>>) src(%dma_wait3A_24 : memref<640x128xf32, #tpu.memory_space<hbm>>) dst(%dma_wait3A_22 : memref<640x128xf32, #tpu.memory_space<vmem_shared>>)
      tpu.yield
    }) : () -> ()
    %barrier3A = arith.constant 0 : index
    tpu.barrier barrier_id(%barrier3A)
    %eq3A = arith.constant 0 : i32
    %eq3A_1 = arith.cmpi eq, %arg0, %eq3A : i32
    %convert_element_type3A = arith.extui %eq3A_1 : i1 to i32
    %cond3A = arith.constant 0 : i32
    %cond3A_2 = arith.cmpi ne, %convert_element_type3A, %cond3A : i32
    scf.if %cond3A_2 {
      %scan3A = arith.constant 0 : i32
      %scan3A_19 = arith.constant 0 : i32
      %scan3A_20 = arith.constant 158 : i32
      %scan3A_21 = arith.addi %scan3A_19, %scan3A_20 : i32
      %scan3A_22 = arith.constant 1 : i32
      %scan3A_23 = scf.for %scan3A_25 = %scan3A_19 to %scan3A_21 step %scan3A_22 iter_args(%scan3A_26 = %scan3A) -> (i32)  : i32 {
        %mul3A_27 = arith.constant 20224 : i32
        %mul3A_28 = arith.muli %arg1, %mul3A_27 : i32
        %mul3A_29 = arith.constant 128 : i32
        %mul3A_30 = arith.muli %scan3A_25, %mul3A_29 : i32
        %add3A = arith.addi %mul3A_28, %mul3A_30 : i32
        "tpu.region"() ({
          %run_scoped3A = tpu.sem_alloc : memref<!tpu.dma_semaphore, #tpu.memory_space<semaphore_mem>>
          %dma_start3A_36 = tpu.memref_slice %arg4[%add3A] : memref<323584xi32, #tpu.memory_space<hbm>> -> memref<128xi32, #tpu.memory_space<hbm>>
          %dma_start3A_37 = tpu.memref_slice %arg4[%add3A] : memref<323584xi32, #tpu.memory_space<hbm>> -> memref<128xi32, #tpu.memory_space<hbm>>
          tpu.enqueue_dma source(%dma_start3A_37 : memref<128xi32, #tpu.memory_space<hbm>>) target(%arg10 : memref<128xi32, #tpu.memory_space<vmem>>) target_semaphore(%run_scoped3A : memref<!tpu.dma_semaphore, #tpu.memory_space<semaphore_mem>>)
          %dma_wait3A_38 = tpu.memref_slice %arg4[%add3A] : memref<323584xi32, #tpu.memory_space<hbm>> -> memref<128xi32, #tpu.memory_space<hbm>>
          %dma_wait3A_39 = tpu.memref_slice %arg4[%add3A] : memref<323584xi32, #tpu.memory_space<hbm>> -> memref<128xi32, #tpu.memory_space<hbm>>
          tpu.wait_dma2 semaphore(%run_scoped3A : memref<!tpu.dma_semaphore, #tpu.memory_space<semaphore_mem>>) src(%dma_wait3A_39 : memref<128xi32, #tpu.memory_space<hbm>>) dst(%arg10 : memref<128xi32, #tpu.memory_space<vmem>>)
          tpu.yield
        }) : () -> ()
        "tpu.region"() ({
          %run_scoped3A = tpu.sem_alloc : memref<!tpu.dma_semaphore, #tpu.memory_space<semaphore_mem>>
          %dma_start3A_36 = tpu.memref_slice %arg5[%add3A] : memref<323584xi32, #tpu.memory_space<hbm>> -> memref<128xi32, #tpu.memory_space<hbm>>
          %dma_start3A_37 = tpu.memref_slice %arg5[%add3A] : memref<323584xi32, #tpu.memory_space<hbm>> -> memref<128xi32, #tpu.memory_space<hbm>>
          tpu.enqueue_dma source(%dma_start3A_37 : memref<128xi32, #tpu.memory_space<hbm>>) target(%arg11 : memref<128xi32, #tpu.memory_space<vmem>>) target_semaphore(%run_scoped3A : memref<!tpu.dma_semaphore, #tpu.memory_space<semaphore_mem>>)
          %dma_wait3A_38 = tpu.memref_slice %arg5[%add3A] : memref<323584xi32, #tpu.memory_space<hbm>> -> memref<128xi32, #tpu.memory_space<hbm>>
          %dma_wait3A_39 = tpu.memref_slice %arg5[%add3A] : memref<323584xi32, #tpu.memory_space<hbm>> -> memref<128xi32, #tpu.memory_space<hbm>>
          tpu.wait_dma2 semaphore(%run_scoped3A : memref<!tpu.dma_semaphore, #tpu.memory_space<semaphore_mem>>) src(%dma_wait3A_39 : memref<128xi32, #tpu.memory_space<hbm>>) dst(%arg11 : memref<128xi32, #tpu.memory_space<vmem>>)
          tpu.yield
        }) : () -> ()
        %dma_start3A = arith.constant 0 : i32
        %dma_start3A_31 = arith.constant 0 : i32
        %dma_start3A_32 = tpu.memref_slice %arg2[%dma_start3A, %dma_start3A_31] : memref<10000x128xf32, #tpu.memory_space<hbm>> -> memref<10000x128xf32, #tpu.memory_space<hbm>>
        tpu.enqueue_indirect_dma source(%dma_start3A_32 : memref<10000x128xf32, #tpu.memory_space<hbm>>) target(%arg12 : memref<128x128xf32, #tpu.memory_space<vmem>>) offsets(%arg10 : memref<128xi32, #tpu.memory_space<vmem>>) semaphore(%arg13 : memref<!tpu.dma_semaphore, #tpu.memory_space<semaphore_mem>>)
        %dma_wait3A = arith.constant 0 : i32
        %dma_wait3A_33 = arith.constant 0 : i32
        %dma_wait3A_34 = tpu.memref_slice %arg2[%dma_wait3A, %dma_wait3A_33] : memref<10000x128xf32, #tpu.memory_space<hbm>> -> memref<10000x128xf32, #tpu.memory_space<hbm>>
        tpu.wait_indirect_dma semaphore(%arg13 : memref<!tpu.dma_semaphore, #tpu.memory_space<semaphore_mem>>) src(%dma_wait3A_34 : memref<10000x128xf32, #tpu.memory_space<hbm>>) dst(%arg12 : memref<128x128xf32, #tpu.memory_space<vmem>>)
        "tpu.region"() ({
          %run_scoped3A = tpu.sem_alloc : memref<!tpu.dma_semaphore, #tpu.memory_space<semaphore_mem>>
          %dma_start3A_36 = arith.constant 0 : i32
          %dma_start3A_37 = arith.constant 0 : i32
          %dma_start3A_38 = tpu.memref_slice %arg9[%dma_start3A_36, %dma_start3A_37] : memref<10240x128xf32, #tpu.memory_space<vmem_shared>> -> memref<10240x128xf32, #tpu.memory_space<vmem_shared>>
          tpu.enqueue_indirect_dma source(%arg12 : memref<128x128xf32, #tpu.memory_space<vmem>>) target(%dma_start3A_38 : memref<10240x128xf32, #tpu.memory_space<vmem_shared>>) offsets(%arg11 : memref<128xi32, #tpu.memory_space<vmem>>) semaphore(%run_scoped3A : memref<!tpu.dma_semaphore, #tpu.memory_space<semaphore_mem>>) {add = true}
          %dma_wait3A_39 = arith.constant 0 : i32
          %dma_wait3A_40 = arith.constant 0 : i32
          %dma_wait3A_41 = tpu.memref_slice %arg9[%dma_wait3A_39, %dma_wait3A_40] : memref<10240x128xf32, #tpu.memory_space<vmem_shared>> -> memref<10240x128xf32, #tpu.memory_space<vmem_shared>>
          tpu.wait_indirect_dma semaphore(%run_scoped3A : memref<!tpu.dma_semaphore, #tpu.memory_space<semaphore_mem>>) src(%arg12 : memref<128x128xf32, #tpu.memory_space<vmem>>) dst(%dma_wait3A_41 : memref<10240x128xf32, #tpu.memory_space<vmem_shared>>)
          tpu.yield
        }) : () -> ()
        %scan3A_35 = arith.constant 0 : i32
        scf.yield %scan3A_35 : i32
      }
      %scan3A_24 = arith.constant 158 : i32
    } else {
    }
    %eq3A_3 = arith.constant 1 : i32
    %eq3A_4 = arith.cmpi eq, %arg0, %eq3A_3 : i32
    %convert_element_type3A_5 = arith.extui %eq3A_4 : i1 to i32
    %cond3A_6 = arith.constant 0 : i32
    %cond3A_7 = arith.cmpi ne, %convert_element_type3A_5, %cond3A_6 : i32
    scf.if %cond3A_7 {
      %scan3A = arith.constant 0 : i32
      %scan3A_19 = arith.constant 0 : i32
      %scan3A_20 = arith.constant 158 : i32
      %scan3A_21 = arith.addi %scan3A_19, %scan3A_20 : i32
      %scan3A_22 = arith.constant 1 : i32
      %scan3A_23 = scf.for %scan3A_25 = %scan3A_19 to %scan3A_21 step %scan3A_22 iter_args(%scan3A_26 = %scan3A) -> (i32)  : i32 {
        %mul3A_27 = arith.constant 20224 : i32
        %mul3A_28 = arith.muli %arg1, %mul3A_27 : i32
        %mul3A_29 = arith.constant 128 : i32
        %mul3A_30 = arith.muli %scan3A_25, %mul3A_29 : i32
        %add3A = arith.addi %mul3A_28, %mul3A_30 : i32
        "tpu.region"() ({
          %run_scoped3A = tpu.sem_alloc : memref<!tpu.dma_semaphore, #tpu.memory_space<semaphore_mem>>
          %dma_start3A_36 = tpu.memref_slice %arg4[%add3A] : memref<323584xi32, #tpu.memory_space<hbm>> -> memref<128xi32, #tpu.memory_space<hbm>>
          %dma_start3A_37 = tpu.memref_slice %arg4[%add3A] : memref<323584xi32, #tpu.memory_space<hbm>> -> memref<128xi32, #tpu.memory_space<hbm>>
          tpu.enqueue_dma source(%dma_start3A_37 : memref<128xi32, #tpu.memory_space<hbm>>) target(%arg10 : memref<128xi32, #tpu.memory_space<vmem>>) target_semaphore(%run_scoped3A : memref<!tpu.dma_semaphore, #tpu.memory_space<semaphore_mem>>)
          %dma_wait3A_38 = tpu.memref_slice %arg4[%add3A] : memref<323584xi32, #tpu.memory_space<hbm>> -> memref<128xi32, #tpu.memory_space<hbm>>
          %dma_wait3A_39 = tpu.memref_slice %arg4[%add3A] : memref<323584xi32, #tpu.memory_space<hbm>> -> memref<128xi32, #tpu.memory_space<hbm>>
          tpu.wait_dma2 semaphore(%run_scoped3A : memref<!tpu.dma_semaphore, #tpu.memory_space<semaphore_mem>>) src(%dma_wait3A_39 : memref<128xi32, #tpu.memory_space<hbm>>) dst(%arg10 : memref<128xi32, #tpu.memory_space<vmem>>)
          tpu.yield
        }) : () -> ()
        "tpu.region"() ({
          %run_scoped3A = tpu.sem_alloc : memref<!tpu.dma_semaphore, #tpu.memory_space<semaphore_mem>>
          %dma_start3A_36 = tpu.memref_slice %arg5[%add3A] : memref<323584xi32, #tpu.memory_space<hbm>> -> memref<128xi32, #tpu.memory_space<hbm>>
          %dma_start3A_37 = tpu.memref_slice %arg5[%add3A] : memref<323584xi32, #tpu.memory_space<hbm>> -> memref<128xi32, #tpu.memory_space<hbm>>
          tpu.enqueue_dma source(%dma_start3A_37 : memref<128xi32, #tpu.memory_space<hbm>>) target(%arg11 : memref<128xi32, #tpu.memory_space<vmem>>) target_semaphore(%run_scoped3A : memref<!tpu.dma_semaphore, #tpu.memory_space<semaphore_mem>>)
          %dma_wait3A_38 = tpu.memref_slice %arg5[%add3A] : memref<323584xi32, #tpu.memory_space<hbm>> -> memref<128xi32, #tpu.memory_space<hbm>>
          %dma_wait3A_39 = tpu.memref_slice %arg5[%add3A] : memref<323584xi32, #tpu.memory_space<hbm>> -> memref<128xi32, #tpu.memory_space<hbm>>
          tpu.wait_dma2 semaphore(%run_scoped3A : memref<!tpu.dma_semaphore, #tpu.memory_space<semaphore_mem>>) src(%dma_wait3A_39 : memref<128xi32, #tpu.memory_space<hbm>>) dst(%arg11 : memref<128xi32, #tpu.memory_space<vmem>>)
          tpu.yield
        }) : () -> ()
        %dma_start3A = arith.constant 0 : i32
        %dma_start3A_31 = arith.constant 0 : i32
        %dma_start3A_32 = tpu.memref_slice %arg3[%dma_start3A, %dma_start3A_31] : memref<10000x128xf32, #tpu.memory_space<hbm>> -> memref<10000x128xf32, #tpu.memory_space<hbm>>
        tpu.enqueue_indirect_dma source(%dma_start3A_32 : memref<10000x128xf32, #tpu.memory_space<hbm>>) target(%arg12 : memref<128x128xf32, #tpu.memory_space<vmem>>) offsets(%arg10 : memref<128xi32, #tpu.memory_space<vmem>>) semaphore(%arg13 : memref<!tpu.dma_semaphore, #tpu.memory_space<semaphore_mem>>)
        %dma_wait3A = arith.constant 0 : i32
        %dma_wait3A_33 = arith.constant 0 : i32
        %dma_wait3A_34 = tpu.memref_slice %arg3[%dma_wait3A, %dma_wait3A_33] : memref<10000x128xf32, #tpu.memory_space<hbm>> -> memref<10000x128xf32, #tpu.memory_space<hbm>>
        tpu.wait_indirect_dma semaphore(%arg13 : memref<!tpu.dma_semaphore, #tpu.memory_space<semaphore_mem>>) src(%dma_wait3A_34 : memref<10000x128xf32, #tpu.memory_space<hbm>>) dst(%arg12 : memref<128x128xf32, #tpu.memory_space<vmem>>)
        "tpu.region"() ({
          %run_scoped3A = tpu.sem_alloc : memref<!tpu.dma_semaphore, #tpu.memory_space<semaphore_mem>>
          %dma_start3A_36 = arith.constant 0 : i32
          %dma_start3A_37 = arith.constant 0 : i32
          %dma_start3A_38 = tpu.memref_slice %arg9[%dma_start3A_36, %dma_start3A_37] : memref<10240x128xf32, #tpu.memory_space<vmem_shared>> -> memref<10240x128xf32, #tpu.memory_space<vmem_shared>>
          tpu.enqueue_indirect_dma source(%arg12 : memref<128x128xf32, #tpu.memory_space<vmem>>) target(%dma_start3A_38 : memref<10240x128xf32, #tpu.memory_space<vmem_shared>>) offsets(%arg11 : memref<128xi32, #tpu.memory_space<vmem>>) semaphore(%run_scoped3A : memref<!tpu.dma_semaphore, #tpu.memory_space<semaphore_mem>>) {add = true}
          %dma_wait3A_39 = arith.constant 0 : i32
          %dma_wait3A_40 = arith.constant 0 : i32
          %dma_wait3A_41 = tpu.memref_slice %arg9[%dma_wait3A_39, %dma_wait3A_40] : memref<10240x128xf32, #tpu.memory_space<vmem_shared>> -> memref<10240x128xf32, #tpu.memory_space<vmem_shared>>
          tpu.wait_indirect_dma semaphore(%run_scoped3A : memref<!tpu.dma_semaphore, #tpu.memory_space<semaphore_mem>>) src(%arg12 : memref<128x128xf32, #tpu.memory_space<vmem>>) dst(%dma_wait3A_41 : memref<10240x128xf32, #tpu.memory_space<vmem_shared>>)
          tpu.yield
        }) : () -> ()
        %scan3A_35 = arith.constant 0 : i32
        scf.yield %scan3A_35 : i32
      }
      %scan3A_24 = arith.constant 158 : i32
    } else {
    }
    %barrier3A_8 = arith.constant 0 : index
    tpu.barrier barrier_id(%barrier3A_8)
    %eq3A_9 = arith.constant 0 : i32
    %eq3A_10 = arith.cmpi eq, %arg0, %eq3A_9 : i32
    %convert_element_type3A_11 = arith.extui %eq3A_10 : i1 to i32
    %cond3A_12 = arith.constant 0 : i32
    %cond3A_13 = arith.cmpi ne, %convert_element_type3A_11, %cond3A_12 : i32
    scf.if %cond3A_13 {
      "tpu.region"() ({
        %run_scoped3A = tpu.sem_alloc : memref<!tpu.dma_semaphore, #tpu.memory_space<semaphore_mem>>
        %dma_start3A = arith.constant 0 : i32
        %dma_start3A_19 = tpu.memref_slice %arg7[%mul3A_0, %dma_start3A] : memref<10240x128xf32, #tpu.memory_space<hbm>> -> memref<640x128xf32, #tpu.memory_space<hbm>>
        %dma_start3A_20 = arith.constant 0 : i32
        %dma_start3A_21 = tpu.memref_slice %arg9[%mul3A_0, %dma_start3A_20] : memref<10240x128xf32, #tpu.memory_space<vmem_shared>> -> memref<640x128xf32, #tpu.memory_space<vmem_shared>>
        tpu.enqueue_dma source(%dma_start3A_21 : memref<640x128xf32, #tpu.memory_space<vmem_shared>>) target(%dma_start3A_19 : memref<640x128xf32, #tpu.memory_space<hbm>>) target_semaphore(%run_scoped3A : memref<!tpu.dma_semaphore, #tpu.memory_space<semaphore_mem>>)
        %dma_wait3A = arith.constant 0 : i32
        %dma_wait3A_22 = tpu.memref_slice %arg7[%mul3A_0, %dma_wait3A] : memref<10240x128xf32, #tpu.memory_space<hbm>> -> memref<640x128xf32, #tpu.memory_space<hbm>>
        %dma_wait3A_23 = arith.constant 0 : i32
        %dma_wait3A_24 = tpu.memref_slice %arg9[%mul3A_0, %dma_wait3A_23] : memref<10240x128xf32, #tpu.memory_space<vmem_shared>> -> memref<640x128xf32, #tpu.memory_space<vmem_shared>>
        tpu.wait_dma2 semaphore(%run_scoped3A : memref<!tpu.dma_semaphore, #tpu.memory_space<semaphore_mem>>) src(%dma_wait3A_24 : memref<640x128xf32, #tpu.memory_space<vmem_shared>>) dst(%dma_wait3A_22 : memref<640x128xf32, #tpu.memory_space<hbm>>)
        tpu.yield
      }) : () -> ()
    } else {
    }
    %eq3A_14 = arith.constant 1 : i32
    %eq3A_15 = arith.cmpi eq, %arg0, %eq3A_14 : i32
    %convert_element_type3A_16 = arith.extui %eq3A_15 : i1 to i32
    %cond3A_17 = arith.constant 0 : i32
    %cond3A_18 = arith.cmpi ne, %convert_element_type3A_16, %cond3A_17 : i32
    scf.if %cond3A_18 {
      "tpu.region"() ({
        %run_scoped3A = tpu.sem_alloc : memref<!tpu.dma_semaphore, #tpu.memory_space<semaphore_mem>>
        %dma_start3A = arith.constant 0 : i32
        %dma_start3A_19 = tpu.memref_slice %arg8[%mul3A_0, %dma_start3A] : memref<10240x128xf32, #tpu.memory_space<hbm>> -> memref<640x128xf32, #tpu.memory_space<hbm>>
        %dma_start3A_20 = arith.constant 0 : i32
        %dma_start3A_21 = tpu.memref_slice %arg9[%mul3A_0, %dma_start3A_20] : memref<10240x128xf32, #tpu.memory_space<vmem_shared>> -> memref<640x128xf32, #tpu.memory_space<vmem_shared>>
        tpu.enqueue_dma source(%dma_start3A_21 : memref<640x128xf32, #tpu.memory_space<vmem_shared>>) target(%dma_start3A_19 : memref<640x128xf32, #tpu.memory_space<hbm>>) target_semaphore(%run_scoped3A : memref<!tpu.dma_semaphore, #tpu.memory_space<semaphore_mem>>)
        %dma_wait3A = arith.constant 0 : i32
        %dma_wait3A_22 = tpu.memref_slice %arg8[%mul3A_0, %dma_wait3A] : memref<10240x128xf32, #tpu.memory_space<hbm>> -> memref<640x128xf32, #tpu.memory_space<hbm>>
        %dma_wait3A_23 = arith.constant 0 : i32
        %dma_wait3A_24 = tpu.memref_slice %arg9[%mul3A_0, %dma_wait3A_23] : memref<10240x128xf32, #tpu.memory_space<vmem_shared>> -> memref<640x128xf32, #tpu.memory_space<vmem_shared>>
        tpu.wait_dma2 semaphore(%run_scoped3A : memref<!tpu.dma_semaphore, #tpu.memory_space<semaphore_mem>>) src(%dma_wait3A_24 : memref<640x128xf32, #tpu.memory_space<vmem_shared>>) dst(%dma_wait3A_22 : memref<640x128xf32, #tpu.memory_space<hbm>>)
        tpu.yield
      }) : () -> ()
    } else {
    }
    return
  }
}

module attributes {stable_mosaic.version = 14 : i64} {
  func.func @body(%arg0: i32, %arg1: memref<1000x128xf32, #tpu.memory_space<vmem>>, %arg2: memref<1000x128xf32, #tpu.memory_space<vmem>>, %arg3: memref<1000x1xf32, #tpu.memory_space<vmem>>, %arg4: memref<1000x1xf32, #tpu.memory_space<vmem>>, %arg5: memref<1000x128xf32, #tpu.memory_space<vmem>>, %arg6: memref<1000x128xf32, #tpu.memory_space<vmem>>, %arg7: memref<256x256xf32, #tpu.memory_space<vmem>>, %arg8: memref<256x256xf32, #tpu.memory_space<vmem>>, %arg9: memref<1x256xf32, #tpu.memory_space<vmem>>, %arg10: memref<1000x128xf32, #tpu.memory_space<vmem>>, %arg11: memref<1000x128xf32, #tpu.memory_space<vmem>>) attributes {dimension_semantics = [#tpu.dimension_semantics<arbitrary>], iteration_bounds = array<i64: 10>, scalar_prefetch = 0 : i64, scratch_operands = 0 : i64, tpu.core_type = #tpu.core_type<tc>, window_params = [{transform_indices = @transform_0, window_bounds = array<i64: 1000, 128>}, {transform_indices = @transform_1, window_bounds = array<i64: 1000, 128>}, {transform_indices = @transform_2, window_bounds = array<i64: 1000, 1>}, {transform_indices = @transform_3, window_bounds = array<i64: 1000, 1>}, {transform_indices = @transform_4, window_bounds = array<i64: 1000, 128>}, {transform_indices = @transform_5, window_bounds = array<i64: 1000, 128>}, {pipeline_mode = #tpu.pipeline_mode<synchronous>, transform_indices = @transform_6, window_bounds = array<i64: 256, 256>}, {pipeline_mode = #tpu.pipeline_mode<synchronous>, transform_indices = @transform_7, window_bounds = array<i64: 256, 256>}, {pipeline_mode = #tpu.pipeline_mode<synchronous>, transform_indices = @transform_8, window_bounds = array<i64: 1, 256>}, {transform_indices = @transform_9, window_bounds = array<i64: 1000, 128>}, {transform_indices = @transform_10, window_bounds = array<i64: 1000, 128>}]} {
    %get3A = arith.constant 0 : index
    %get3A_0 = arith.constant 0 : index
    %get3A_1 = vector.load %arg1[%get3A, %get3A_0] : memref<1000x128xf32, #tpu.memory_space<vmem>>, vector<1000x128xf32>
    %get3A_2 = arith.constant 0 : index
    %get3A_3 = arith.constant 0 : index
    %get3A_4 = vector.load %arg2[%get3A_2, %get3A_3] : memref<1000x128xf32, #tpu.memory_space<vmem>>, vector<1000x128xf32>
    %concatenate3A = tpu.concatenate %get3A_1, %get3A_4 in 1 : vector<1000x128xf32>, vector<1000x128xf32> -> vector<1000x256xf32>
    %get3A_5 = arith.constant 0 : index
    %get3A_6 = arith.constant 0 : index
    %get3A_7 = vector.load %arg5[%get3A_5, %get3A_6] : memref<1000x128xf32, #tpu.memory_space<vmem>>, vector<1000x128xf32>
    %get3A_8 = arith.constant 0 : index
    %get3A_9 = arith.constant 0 : index
    %get3A_10 = vector.load %arg6[%get3A_8, %get3A_9] : memref<1000x128xf32, #tpu.memory_space<vmem>>, vector<1000x128xf32>
    %concatenate3A_11 = tpu.concatenate %get3A_7, %get3A_10 in 1 : vector<1000x128xf32>, vector<1000x128xf32> -> vector<1000x256xf32>
    %get3A_12 = arith.constant 0 : index
    %get3A_13 = arith.constant 0 : index
    %get3A_14 = vector.load %arg3[%get3A_12, %get3A_13] : memref<1000x1xf32, #tpu.memory_space<vmem>>, vector<1000x1xf32>
    %get3A_15 = arith.constant 0 : index
    %get3A_16 = arith.constant 0 : index
    %get3A_17 = vector.load %arg4[%get3A_15, %get3A_16] : memref<1000x1xf32, #tpu.memory_space<vmem>>, vector<1000x1xf32>
    %add3A = arith.addf %get3A_14, %get3A_17 : vector<1000x1xf32>
    %max3A = arith.constant 1.000000e+00 : f32
    %max3A_18 = vector.broadcast %max3A : f32 to vector<1000x1xf32>
    %max3A_19 = arith.maximumf %add3A, %max3A_18 : vector<1000x1xf32>
    %div3A = arith.constant 1.000000e+00 : f32
    %div3A_20 = vector.broadcast %div3A : f32 to vector<1000x1xf32>
    %div3A_21 = arith.divf %div3A_20, %max3A_19 : vector<1000x1xf32>
    %mul3A = vector.broadcast %div3A_21 : vector<1000x1xf32> to vector<1000x256xf32>
    %mul3A_22 = arith.mulf %concatenate3A, %mul3A : vector<1000x256xf32>
    %get3A_23 = arith.constant 0 : index
    %get3A_24 = arith.constant 0 : index
    %get3A_25 = vector.load %arg7[%get3A_23, %get3A_24] : memref<256x256xf32, #tpu.memory_space<vmem>>, vector<256x256xf32>
    %dot_general3A = arith.constant dense<0.000000e+00> : vector<1000x256xf32>
    %dot_general3A_26 = tpu.matmul %mul3A_22, %get3A_25, %dot_general3A {dimension_numbers = #tpu.dot_dimension_numbers<[1], [0], [0], [1], [0, 0, 1, 1], [], []>, precision = #tpu.contract_precision<fp32>, transpose_lhs_hint = false} : vector<1000x256xf32>, vector<256x256xf32>, vector<1000x256xf32> -> vector<1000x256xf32>
    %get3A_27 = arith.constant 0 : index
    %get3A_28 = arith.constant 0 : index
    %get3A_29 = vector.load %arg8[%get3A_27, %get3A_28] : memref<256x256xf32, #tpu.memory_space<vmem>>, vector<256x256xf32>
    %dot_general3A_30 = arith.constant dense<0.000000e+00> : vector<1000x256xf32>
    %dot_general3A_31 = tpu.matmul %concatenate3A_11, %get3A_29, %dot_general3A_30 {dimension_numbers = #tpu.dot_dimension_numbers<[1], [0], [0], [1], [0, 0, 1, 1], [], []>, precision = #tpu.contract_precision<fp32>, transpose_lhs_hint = false} : vector<1000x256xf32>, vector<256x256xf32>, vector<1000x256xf32> -> vector<1000x256xf32>
    %add3A_32 = arith.addf %dot_general3A_26, %dot_general3A_31 : vector<1000x256xf32>
    %get3A_33 = arith.constant 0 : index
    %get3A_34 = arith.constant 0 : index
    %get3A_35 = vector.load %arg9[%get3A_33, %get3A_34] : memref<1x256xf32, #tpu.memory_space<vmem>>, vector<1x256xf32>
    %add3A_36 = vector.broadcast %get3A_35 : vector<1x256xf32> to vector<1000x256xf32>
    %add3A_37 = arith.addf %add3A_32, %add3A_36 : vector<1000x256xf32>
    %max3A_38 = arith.constant 0.000000e+00 : f32
    %max3A_39 = vector.broadcast %max3A_38 : f32 to vector<1000x256xf32>
    %max3A_40 = arith.maximumf %add3A_37, %max3A_39 : vector<1000x256xf32>
    %slice3A = vector.extract_strided_slice %max3A_40 {offsets = [0, 0], sizes = [1000, 128], strides = [1, 1]} : vector<1000x256xf32> to vector<1000x128xf32>
    %swap3A = arith.constant 0 : index
    %swap3A_41 = arith.constant 0 : index
    %swap3A_42 = vector.load %arg10[%swap3A, %swap3A_41] : memref<1000x128xf32, #tpu.memory_space<vmem>>, vector<1000x128xf32>
    tpu.vector_store %arg10[%swap3A, %swap3A_41], %slice3A {strides = array<i32>} : memref<1000x128xf32, #tpu.memory_space<vmem>>, vector<1000x128xf32>,
    %slice3A_43 = vector.extract_strided_slice %max3A_40 {offsets = [0, 128], sizes = [1000, 128], strides = [1, 1]} : vector<1000x256xf32> to vector<1000x128xf32>
    %swap3A_44 = arith.constant 0 : index
    %swap3A_45 = arith.constant 0 : index
    %swap3A_46 = vector.load %arg11[%swap3A_44, %swap3A_45] : memref<1000x128xf32, #tpu.memory_space<vmem>>, vector<1000x128xf32>
    tpu.vector_store %arg11[%swap3A_44, %swap3A_45], %slice3A_43 {strides = array<i32>} : memref<1000x128xf32, #tpu.memory_space<vmem>>, vector<1000x128xf32>,
    return
  }
  func.func @transform_0(%arg0: i32) -> (i32, i32) {
    %c0_i32 = arith.constant 0 : i32
    %c0_i32_0 = arith.constant 0 : i32
    return %arg0, %c0_i32 : i32, i32
  }
  func.func @transform_1(%arg0: i32) -> (i32, i32) {
    %c0_i32 = arith.constant 0 : i32
    %c0_i32_0 = arith.constant 0 : i32
    return %arg0, %c0_i32 : i32, i32
  }
  func.func @transform_2(%arg0: i32) -> (i32, i32) {
    %c0_i32 = arith.constant 0 : i32
    %c0_i32_0 = arith.constant 0 : i32
    return %arg0, %c0_i32 : i32, i32
  }
  func.func @transform_3(%arg0: i32) -> (i32, i32) {
    %c0_i32 = arith.constant 0 : i32
    %c0_i32_0 = arith.constant 0 : i32
    return %arg0, %c0_i32 : i32, i32
  }
  func.func @transform_4(%arg0: i32) -> (i32, i32) {
    %c0_i32 = arith.constant 0 : i32
    %c0_i32_0 = arith.constant 0 : i32
    return %arg0, %c0_i32 : i32, i32
  }
  func.func @transform_5(%arg0: i32) -> (i32, i32) {
    %c0_i32 = arith.constant 0 : i32
    %c0_i32_0 = arith.constant 0 : i32
    return %arg0, %c0_i32 : i32, i32
  }
  func.func @transform_6(%arg0: i32) -> (i32, i32) {
    %c0_i32 = arith.constant 0 : i32
    %c0_i32_0 = arith.constant 0 : i32
    %c0_i32_1 = arith.constant 0 : i32
    return %c0_i32, %c0_i32_0 : i32, i32
  }
  func.func @transform_7(%arg0: i32) -> (i32, i32) {
    %c0_i32 = arith.constant 0 : i32
    %c0_i32_0 = arith.constant 0 : i32
    %c0_i32_1 = arith.constant 0 : i32
    return %c0_i32, %c0_i32_0 : i32, i32
  }
  func.func @transform_8(%arg0: i32) -> (i32, i32) {
    %c0_i32 = arith.constant 0 : i32
    %c0_i32_0 = arith.constant 0 : i32
    %c0_i32_1 = arith.constant 0 : i32
    return %c0_i32, %c0_i32_0 : i32, i32
  }
  func.func @transform_9(%arg0: i32) -> (i32, i32) {
    %c0_i32 = arith.constant 0 : i32
    %c0_i32_0 = arith.constant 0 : i32
    return %arg0, %c0_i32 : i32, i32
  }
  func.func @transform_10(%arg0: i32) -> (i32, i32) {
    %c0_i32 = arith.constant 0 : i32
    %c0_i32_0 = arith.constant 0 : i32
    return %arg0, %c0_i32 : i32, i32
  }
}

module attributes {stable_mosaic.version = 14 : i64} {
  func.func @body(%arg0: i32, %arg1: memref<1000x128xf32, #tpu.memory_space<vmem>>, %arg2: memref<1000x128xf32, #tpu.memory_space<vmem>>, %arg3: memref<1000x1xf32, #tpu.memory_space<vmem>>, %arg4: memref<1000x1xf32, #tpu.memory_space<vmem>>, %arg5: memref<1000x128xf32, #tpu.memory_space<vmem>>, %arg6: memref<1000x128xf32, #tpu.memory_space<vmem>>, %arg7: memref<256x128xf32, #tpu.memory_space<vmem>>, %arg8: memref<256x128xf32, #tpu.memory_space<vmem>>, %arg9: memref<1x128xf32, #tpu.memory_space<vmem>>, %arg10: memref<1000x128xf32, #tpu.memory_space<vmem>>) attributes {dimension_semantics = [#tpu.dimension_semantics<arbitrary>], iteration_bounds = array<i64: 10>, scalar_prefetch = 0 : i64, scratch_operands = 0 : i64, tpu.core_type = #tpu.core_type<tc>, window_params = [{transform_indices = @transform_0, window_bounds = array<i64: 1000, 128>}, {transform_indices = @transform_1, window_bounds = array<i64: 1000, 128>}, {transform_indices = @transform_2, window_bounds = array<i64: 1000, 1>}, {transform_indices = @transform_3, window_bounds = array<i64: 1000, 1>}, {transform_indices = @transform_4, window_bounds = array<i64: 1000, 128>}, {transform_indices = @transform_5, window_bounds = array<i64: 1000, 128>}, {pipeline_mode = #tpu.pipeline_mode<synchronous>, transform_indices = @transform_6, window_bounds = array<i64: 256, 128>}, {pipeline_mode = #tpu.pipeline_mode<synchronous>, transform_indices = @transform_7, window_bounds = array<i64: 256, 128>}, {pipeline_mode = #tpu.pipeline_mode<synchronous>, transform_indices = @transform_8, window_bounds = array<i64: 1, 128>}, {transform_indices = @transform_9, window_bounds = array<i64: 1000, 128>}]} {
    %get3A = arith.constant 0 : index
    %get3A_0 = arith.constant 0 : index
    %get3A_1 = vector.load %arg1[%get3A, %get3A_0] : memref<1000x128xf32, #tpu.memory_space<vmem>>, vector<1000x128xf32>
    %get3A_2 = arith.constant 0 : index
    %get3A_3 = arith.constant 0 : index
    %get3A_4 = vector.load %arg2[%get3A_2, %get3A_3] : memref<1000x128xf32, #tpu.memory_space<vmem>>, vector<1000x128xf32>
    %concatenate3A = tpu.concatenate %get3A_1, %get3A_4 in 1 : vector<1000x128xf32>, vector<1000x128xf32> -> vector<1000x256xf32>
    %get3A_5 = arith.constant 0 : index
    %get3A_6 = arith.constant 0 : index
    %get3A_7 = vector.load %arg5[%get3A_5, %get3A_6] : memref<1000x128xf32, #tpu.memory_space<vmem>>, vector<1000x128xf32>
    %get3A_8 = arith.constant 0 : index
    %get3A_9 = arith.constant 0 : index
    %get3A_10 = vector.load %arg6[%get3A_8, %get3A_9] : memref<1000x128xf32, #tpu.memory_space<vmem>>, vector<1000x128xf32>
    %concatenate3A_11 = tpu.concatenate %get3A_7, %get3A_10 in 1 : vector<1000x128xf32>, vector<1000x128xf32> -> vector<1000x256xf32>
    %get3A_12 = arith.constant 0 : index
    %get3A_13 = arith.constant 0 : index
    %get3A_14 = vector.load %arg3[%get3A_12, %get3A_13] : memref<1000x1xf32, #tpu.memory_space<vmem>>, vector<1000x1xf32>
    %get3A_15 = arith.constant 0 : index
    %get3A_16 = arith.constant 0 : index
    %get3A_17 = vector.load %arg4[%get3A_15, %get3A_16] : memref<1000x1xf32, #tpu.memory_space<vmem>>, vector<1000x1xf32>
    %add3A = arith.addf %get3A_14, %get3A_17 : vector<1000x1xf32>
    %max3A = arith.constant 1.000000e+00 : f32
    %max3A_18 = vector.broadcast %max3A : f32 to vector<1000x1xf32>
    %max3A_19 = arith.maximumf %add3A, %max3A_18 : vector<1000x1xf32>
    %div3A = arith.constant 1.000000e+00 : f32
    %div3A_20 = vector.broadcast %div3A : f32 to vector<1000x1xf32>
    %div3A_21 = arith.divf %div3A_20, %max3A_19 : vector<1000x1xf32>
    %mul3A = vector.broadcast %div3A_21 : vector<1000x1xf32> to vector<1000x256xf32>
    %mul3A_22 = arith.mulf %concatenate3A, %mul3A : vector<1000x256xf32>
    %get3A_23 = arith.constant 0 : index
    %get3A_24 = arith.constant 0 : index
    %get3A_25 = vector.load %arg7[%get3A_23, %get3A_24] : memref<256x128xf32, #tpu.memory_space<vmem>>, vector<256x128xf32>
    %dot_general3A = arith.constant dense<0.000000e+00> : vector<1000x128xf32>
    %dot_general3A_26 = tpu.matmul %mul3A_22, %get3A_25, %dot_general3A {dimension_numbers = #tpu.dot_dimension_numbers<[1], [0], [0], [1], [0, 0, 1, 1], [], []>, precision = #tpu.contract_precision<fp32>, transpose_lhs_hint = false} : vector<1000x256xf32>, vector<256x128xf32>, vector<1000x128xf32> -> vector<1000x128xf32>
    %get3A_27 = arith.constant 0 : index
    %get3A_28 = arith.constant 0 : index
    %get3A_29 = vector.load %arg8[%get3A_27, %get3A_28] : memref<256x128xf32, #tpu.memory_space<vmem>>, vector<256x128xf32>
    %dot_general3A_30 = arith.constant dense<0.000000e+00> : vector<1000x128xf32>
    %dot_general3A_31 = tpu.matmul %concatenate3A_11, %get3A_29, %dot_general3A_30 {dimension_numbers = #tpu.dot_dimension_numbers<[1], [0], [0], [1], [0, 0, 1, 1], [], []>, precision = #tpu.contract_precision<fp32>, transpose_lhs_hint = false} : vector<1000x256xf32>, vector<256x128xf32>, vector<1000x128xf32> -> vector<1000x128xf32>
    %add3A_32 = arith.addf %dot_general3A_26, %dot_general3A_31 : vector<1000x128xf32>
    %get3A_33 = arith.constant 0 : index
    %get3A_34 = arith.constant 0 : index
    %get3A_35 = vector.load %arg9[%get3A_33, %get3A_34] : memref<1x128xf32, #tpu.memory_space<vmem>>, vector<1x128xf32>
    %add3A_36 = vector.broadcast %get3A_35 : vector<1x128xf32> to vector<1000x128xf32>
    %add3A_37 = arith.addf %add3A_32, %add3A_36 : vector<1000x128xf32>
    %swap3A = arith.constant 0 : index
    %swap3A_38 = arith.constant 0 : index
    %swap3A_39 = vector.load %arg10[%swap3A, %swap3A_38] : memref<1000x128xf32, #tpu.memory_space<vmem>>, vector<1000x128xf32>
    tpu.vector_store %arg10[%swap3A, %swap3A_38], %add3A_37 {strides = array<i32>} : memref<1000x128xf32, #tpu.memory_space<vmem>>, vector<1000x128xf32>,
    return
  }
  func.func @transform_0(%arg0: i32) -> (i32, i32) {
    %c0_i32 = arith.constant 0 : i32
    %c0_i32_0 = arith.constant 0 : i32
    return %arg0, %c0_i32 : i32, i32
  }
  func.func @transform_1(%arg0: i32) -> (i32, i32) {
    %c0_i32 = arith.constant 0 : i32
    %c0_i32_0 = arith.constant 0 : i32
    return %arg0, %c0_i32 : i32, i32
  }
  func.func @transform_2(%arg0: i32) -> (i32, i32) {
    %c0_i32 = arith.constant 0 : i32
    %c0_i32_0 = arith.constant 0 : i32
    return %arg0, %c0_i32 : i32, i32
  }
  func.func @transform_3(%arg0: i32) -> (i32, i32) {
    %c0_i32 = arith.constant 0 : i32
    %c0_i32_0 = arith.constant 0 : i32
    return %arg0, %c0_i32 : i32, i32
  }
  func.func @transform_4(%arg0: i32) -> (i32, i32) {
    %c0_i32 = arith.constant 0 : i32
    %c0_i32_0 = arith.constant 0 : i32
    return %arg0, %c0_i32 : i32, i32
  }
  func.func @transform_5(%arg0: i32) -> (i32, i32) {
    %c0_i32 = arith.constant 0 : i32
    %c0_i32_0 = arith.constant 0 : i32
    return %arg0, %c0_i32 : i32, i32
  }
  func.func @transform_6(%arg0: i32) -> (i32, i32) {
    %c0_i32 = arith.constant 0 : i32
    %c0_i32_0 = arith.constant 0 : i32
    %c0_i32_1 = arith.constant 0 : i32
    return %c0_i32, %c0_i32_0 : i32, i32
  }
  func.func @transform_7(%arg0: i32) -> (i32, i32) {
    %c0_i32 = arith.constant 0 : i32
    %c0_i32_0 = arith.constant 0 : i32
    %c0_i32_1 = arith.constant 0 : i32
    return %c0_i32, %c0_i32_0 : i32, i32
  }
  func.func @transform_8(%arg0: i32) -> (i32, i32) {
    %c0_i32 = arith.constant 0 : i32
    %c0_i32_0 = arith.constant 0 : i32
    %c0_i32_1 = arith.constant 0 : i32
    return %c0_i32, %c0_i32_0 : i32, i32
  }
  func.func @transform_9(%arg0: i32) -> (i32, i32) {
    %c0_i32 = arith.constant 0 : i32
    %c0_i32_0 = arith.constant 0 : i32
    return %arg0, %c0_i32 : i32, i32
  }
}

</mosaic_0001>

<sc_bundles>
// kernel: kernel.12.cloned.1.call-start
scs
__scs_entry_jumppad:
0x0: {  	(pc) =	sbr.rel $0x88, $3  }
0x1: {  	(tag) =	ssettag $0x0;
	lr =	simm.s32 $0x1  }
0x2: {  	[smem:$0x3F92] =	sst lr;
	_ =	strace $0xD0000000  }
0x3: {  	_ = 	snop  }
0x4: {  	_ = 	snop  }
0x5: {  	_ = 	snop  }
0x6: {  	_ = 	snop  }
0x7: {  	_ = 	snop  }
__scs_overlays_trampoline_lowered:
0x8: {  	[smem:$0x3FA1] =	sst s0  }
0x9: {  	[smem:$0x3FA2] =	sst s1  }
0xa: {  	[smem:$0x3FA3] =	sst s2  }
0xb: {  	[smem:$0x3FA4] =	sst s3  }
0xc: {  	[smem:$0x3FA5] =	sst s4  }
0xd: {  	[smem:$0x3FA6] =	sst s5  }
0xe: {  	[smem:$0x3FA7] =	sst s6  }
0xf: {  	[smem:$0x3FA8] =	sst s7  }
0x10: {  	[smem:$0x3FA9] =	sst s8  }
0x11: {  	[smem:$0x3FAA] =	sst s9;
	s0 =	simm.s32 @!p0 $0x0  }
0x12: {  	s1 =	sld [smem:$0x3F90];
	s0 =	simm.s32 @p0 $0x1  }
0x13: {  	[smem:$0x3FAB] =	sst s0;
	s0 =	simm.s32 @!p1 $0x0  }
0x14: {  	s2 =	sld [smem:$0x3F8F];
	s0 =	simm.s32 @p1 $0x1  }
0x15: {  	[smem:$0x3FAC] =	sst s0;
	s0 =	simm.s32 @!p2 $0x0  }
0x16: {  	s3 =	sld [smem:$0x3FDB];
	s0 =	simm.s32 @p2 $0x1  }
0x17: {  	s4 =	simm.s32 $0x1BF5;
	[smem:$0x3FAE] =	sst s0  }
0x18: {  	s0 =	sld [smem:$0x3F91];
	_ =	swait.ge [sflag:s4], $0x0  }
0x19: {  	s7 =	sld [smem:$0x3F92]  }
0x1a: {  	s8 =	sadd.s32 $0xFFFFE003, lr  }
0x1b: {  	s9 =	sadd.s32 $0xFFFFFEF7, lr;
	s5 =	simm.s32 $0xFFFFFFFF;
	p2 =	slt.u32 s8, $0xFFFFF086  }
0x1c: {  	p1 =	slt.u32 s9, $0xF7A;
	s5 =	simm.s32 @!p2 $0x0  }
0x1d: {  	s5 =	simm.s32 @p1 $0x1;
	p0 =	seq.s32 s7, s2  }
0x1e: {  	s7 =	smul.u32 @!p0 $0xF7A, s2;
	p2 =	seq.s32 @!p0 s5, $0x0  }
0x1f: {  	s9 =	smul.u32 $0xF7A, s1;
	s8 =	simm.s32 @!p0 $0x1BF5;
	p2 =	por !p2, p0  }
0x20: {  	[sflag:s8] =	ssyncset.s32 @!p0 $0xFFFFF086;
	s6 =	sadd.s32 @!p0 s3, s7;
	s7 =	simm.s32 @!p0 $0x108  }
0x21: {  	s3 =	sadd.s32 s3, s9;
	s6 =	sadd.s32 @!p0 $0x88, s6;
	s7 =	simm.s32 @p2 $0x1082  }
0x22: {  	[simem:s7], [sflag:s8] =	dma.local @!p0 [hbm:s6], $0xF7A  }
0x23: {  	s9 =	sor.u32 $0xD0000000, s2;
	s6 =	simm.s32 $0x108;
	_ =	swait.ge @!p0 [sflag:s8], $0x0  }
0x24: {  	s3 =	sadd.s32 $0x88, s3;
	s6 =	simm.s32 @!p1 $0x1082;
	[sflag:s4] =	ssyncset.s32 $0xFFFFF086  }
0x25: {  	[simem:s6], [sflag:s4] =	dma.local [hbm:s3], $0xF7A  }
0x26: {  	[smem:$0x3F92] =	sst s1;
	(tag) =	ssettag s2;
	_ =	strace s9  }
0x27: {  	s1 =	sld [smem:$0x3FA2]  }
0x28: {  	s2 =	sld [smem:$0x3FA3]  }
0x29: {  	s4 =	sld [smem:$0x3FA5]  }
0x2a: {  	p0 =	seq.s32 s5, $0x0;
	s5 =	sld [smem:$0x3FA6]  }
0x2b: {  	s6 =	sld [smem:$0x3FA7]  }
0x2c: {  	s7 =	sld [smem:$0x3FA8]  }
0x2d: {  	s3 =	simm.s32 $0x108;
	s8 =	sld [smem:$0x3FA9]  }
0x2e: {  	s3 =	simm.s32 @!p0 $0x1082;
	s9 =	sld [smem:$0x3FAA]  }
0x2f: {  	lr =	sadd.s32 s0, s3;
	s0 =	sld [smem:$0x3FA1]  }
0x30: {  	s3 =	sld [smem:$0x3FA4]  }
0x31: {  	[smem:$0x3FAD] =	sst s10  }
0x32: {  	s10 =	sld [smem:$0x3FAB];
	_ =	sdelay $0x3  }
0x33: {  	p0 =	seq.s32 s10, $0x1;
	s10 =	sld [smem:$0x3FAD];
	_ =	sdelay $0x3  }
0x34: {  	[smem:$0x3FAD] =	sst s10  }
0x35: {  	s10 =	sld [smem:$0x3FAC];
	_ =	sdelay $0x3  }
0x36: {  	p1 =	seq.s32 s10, $0x1;
	s10 =	sld [smem:$0x3FAD];
	_ =	sdelay $0x3  }
0x37: {  	[smem:$0x3FAD] =	sst s10  }
0x38: {  	s10 =	sld [smem:$0x3FAE]  }
0x39: {  	_ = 	snop;
	(pc) =	sbr.ind lr, $3  }
0x3a: {  	_ = 	snop  }
0x3b: {  	_ = 	snop  }
0x3c: {  	p2 =	seq.s32 s10, $0x1;
	s10 =	sld [smem:$0x3FAD]  }
0x3d: {  	_ =	shalt  }
0x3e: {  	_ =	shalt  }
0x3f: {  	_ =	shalt  }
0x40: {  	_ =	shalt  }
0x41: {  	_ =	shalt  }
0x42: {  	_ =	shalt  }
0x43: {  	_ =	shalt  }
0x44: {  	_ =	shalt  }
0x45: {  	_ =	shalt  }
0x46: {  	_ =	shalt  }
0x47: {  	_ =	shalt  }
0x48: {  	_ =	shalt  }
0x49: {  	_ =	shalt  }
0x4a: {  	_ =	shalt  }
0x4b: {  	_ =	shalt  }
0x4c: {  	_ =	shalt  }
0x4d: {  	_ =	shalt  }
0x4e: {  	_ =	shalt  }
0x4f: {  	_ =	shalt  }
0x50: {  	_ =	shalt  }
0x51: {  	_ =	shalt  }
0x52: {  	_ =	shalt  }
0x53: {  	_ =	shalt  }
0x54: {  	_ =	shalt  }
0x55: {  	_ =	shalt  }
0x56: {  	_ =	shalt  }
0x57: {  	_ =	shalt  }
0x58: {  	_ =	shalt  }
0x59: {  	_ =	shalt  }
0x5a: {  	_ =	shalt  }
0x5b: {  	_ =	shalt  }
0x5c: {  	_ =	shalt  }
0x5d: {  	_ =	shalt  }
0x5e: {  	_ =	shalt  }
0x5f: {  	_ =	shalt  }
0x60: {  	_ =	shalt  }
0x61: {  	_ =	shalt  }
0x62: {  	_ =	shalt  }
0x63: {  	_ =	shalt  }
0x64: {  	_ =	shalt  }
0x65: {  	_ =	shalt  }
0x66: {  	_ =	shalt  }
0x67: {  	_ =	shalt  }
0x68: {  	_ =	shalt  }
0x69: {  	_ =	shalt  }
0x6a: {  	_ =	shalt  }
0x6b: {  	_ =	shalt  }
0x6c: {  	_ =	shalt  }
0x6d: {  	_ =	shalt  }
0x6e: {  	_ =	shalt  }
0x6f: {  	_ =	shalt  }
0x70: {  	_ =	shalt  }
0x71: {  	_ =	shalt  }
0x72: {  	_ =	shalt  }
0x73: {  	_ =	shalt  }
0x74: {  	_ =	shalt  }
0x75: {  	_ =	shalt  }
0x76: {  	_ =	shalt  }
0x77: {  	_ =	shalt  }
0x78: {  	_ =	shalt  }
0x79: {  	_ =	shalt  }
0x7a: {  	_ =	shalt  }
0x7b: {  	_ =	shalt  }
0x7c: {  	_ =	shalt  }
0x7d: {  	_ =	shalt  }
0x7e: {  	_ =	shalt  }
0x7f: {  	_ =	shalt  }
0x80: {  	_ =	shalt  }
0x81: {  	_ =	shalt  }
0x82: {  	_ =	shalt  }
0x83: {  	_ =	shalt  }
0x84: {  	_ =	shalt  }
0x85: {  	_ =	shalt  }
0x86: {  	_ =	shalt  }
0x87: {  	_ =	shalt  }
.Lfunc_end0:
.L_simem_size_0:
called_computation.1_lowered:
.L_overlay_start_0:
0x88: {  	s2 =	sld [smem:$0x3FD9]  }
0x89: {  	s3 =	sld [smem:$0x3FFE];
	_ =	sdelay $0x1  }
0x8a: {  	s1 =	srdreg.scid  }
0x8b: {  	s0 =	sand.u32 $0x1, s1  }
0x8c: {  	s17 =	sshll.u32 s0, $0xA;
	s2 =	sadd.s32 s3, s2  }
0x8d: {  	s2 =	sadd.s32 s2, s17  }
0x8e: {  	[smem:$0x3FB9] =	sst s2  }
0x8f: {  	_ = 	snop  }
0x90: {  	s18 =	sld [smem:$0x3FC9]  }
0x91: {  	s4 =	sld [smem:$0x3FC8];
	(tm) =	ssettm $0x1  }
0x92: {  	s19 =	sld [smem:$0x3FFB];
	_ =	sdelay $0x3  }
0x93: {  	_ =	strace s19  }
0x94: {  	s2 =	sld [smem:$0x3FFC];
	_ =	sdelay $0x3  }
0x95: {  	_ =	strace s2  }
0x96: {  	s2 =	sld [smem:$0x3FFD];
	_ =	sdelay $0x3  }
0x97: {  	_ =	strace s2  }
0x98: {  	_ =	strace $0x8FFFFFFF  }
0x99: {  	s20 =	sld [smem:$0x3FDB];
	_ =	sdelay $0x1  }
0x9a: {  	s5 =	simm.s32 $_scs_section_size  }
0x9b: {  	s6 =	simm.s32 $_size__tile_overlayer_lowered;
	s7 =	simm.s32 $_tile_overlayer_lowered  }
0x9c: {  	s8 =	simm.s32 $0x1BFF;
	s21 =	sshll.u32 s7, $0x1;
	s5 =	sadd.s32 s5, s20  }
0x9d: {  	s22 =	simm.s32 $0x0;
	s6 =	sshll.u32 s6, $0x1;
	s7 =	sadd.s32 s21, s5  }
0x9e: {  	[timem:s22], [sflag:s8] =	dma.local [hbm:s7], s6  }
0x9f: {  	_ =	swait.ge [sflag:s8], s6  }
0xa0: {  	s6 =	ssub.s32 $0x0, s6;
	[sflag:s8] =	ssyncset.done $0x0  }
0xa1: {  	[sflag:s8] =	ssyncadd.s32 s6;
	_ =	sdelay $0x1  }
0xa2: {  	s23 =	simm.s32 $0x1B8B  }
0xa3: {  	_ =	swait.ge [sflag:s23], $0x1  }
0xa4: {  	[sflag:s23] =	ssyncset.done $0x0  }
0xa5: {  	[sflag:s23] =	ssyncadd.s32 $0xFFFFFFFF  }
0xa6: {  	s6 =	sld [smem:$0x0]  }
0xa7: {  	s7 =	sand.u32 $0xFFFFFFFE, s1  }
0xa8: {  	p0 =	sne.s32 s1, s7  }
0xa9: {  	s7 =	sshll.u32 @p0 s7, $0xE  }
0xaa: {  	s7 =	sadd.s32 @p0 $0x11B8D, s7;
	s8 =	sshll.u32 @p0 s6, $0x11  }
0xab: {  	s7 =	sor.u32 @p0 s8, s7  }
0xac: {  	[sflag:s7] =	ssyncadd.remote.s32 @p0 $0x1;
	_ =	sdelay $0x1  }
0xad: {  	s7 =	simm.s32 @p0 $0x1B8D  }
0xae: {  	_ =	swait.eq @p0 [sflag:s7], $0x1  }
0xaf: {  	[sflag:s7] =	ssyncadd.s32 @p0 $0xFFFFFFFF  }
0xb0: {  	s8 =	sshll.u32 @!p0 s1, $0xE  }
0xb1: {  	s8 =	sor.u32 @!p0 $0x4000, s8;
	s7 =	simm.s32 @!p0 $0x1B8D  }
0xb2: {  	s6 =	sshll.u32 @!p0 s6, $0x11;
	s8 =	sadd.s32 @!p0 $0x11B8D, s8;
	_ =	swait.eq @!p0 [sflag:s7], $0x1  }
0xb3: {  	s6 =	sor.u32 @!p0 s6, s8;
	[sflag:s7] =	ssyncadd.s32 @!p0 $0xFFFFFFFF  }
0xb4: {  	s25 =	simm.s32 $0x1B8E;
	s24 =	sld [smem:$0x3FFE];
	[sflag:s6] =	ssyncadd.remote.s32 @!p0 $0x1  }
0xb5: {  	s26 =	simm.s32 $execute0_lowered;
	[smem:$0x3FD2] =	sst s25  }
0xb6: {  	s7 =	sshll.u32 s26, $0x1;
	_ =	strace $0x80000049;
	[dreg:$0x1] =	wrdreg $0xFFFFFFFF  }
0xb7: {  	s28 =	simm.s32 $_size_execute0_lowered;
	s5 =	sadd.s32 s5, s7;
	[dreg:$0x0] =	wrdreg $0x0  }
0xb8: {  	s7 =	sshll.u32 s28, $0x1;
	[dreg:$0x2] =	wrdreg s5  }
0xb9: {  	[dreg:$0x3] =	wrdreg s7  }
0xba: {  	[dreg:$0x4] =	wrdreg $0xC0  }
0xbb: {  	_ =	task [dreg:s22], $0x5FFFF  }
0xbc: {  	[dreg:$0x1] =	wrdreg $0xFFFFFFFF  }
0xbd: {  	[dreg:$0x0] =	wrdreg $0x60  }
0xbe: {  	[dreg:$0x2] =	wrdreg s18  }
0xbf: {  	[dreg:$0x3] =	wrdreg s4  }
0xc0: {  	[dreg:$0x4] =	wrdreg s24  }
0xc1: {  	[dreg:$0x5] =	wrdreg $0x0  }
0xc2: {  	[dreg:$0x6] =	wrdreg $0xA  }
0xc3: {  	_ =	task.clear_ibuf [dreg:s22], $0x7FFFF;
	_ =	strace $0x90000049  }
0xc4: {  	s29 =	simm.s32 $0xA;
	_ =	strace $0x8000004B  }
0xc5: {  	_ =	swait.ge [sflag:s29], $0x1  }
0xc6: {  	[sflag:s29] =	ssyncadd.s32 $0xFFFFFFFF  }
0xc7: {  	_ =	strace $0x9000004B  }
0xc8: {  	_ =	sfence  }
0xc9: {  	s30 =	sld [smem:$0x0];
	_ =	sdelay $0x2  }
0xca: {  	s31 =	sshll.u32 s1, $0xD;
	s1 =	sshrl.u32 s1, $0x2  }
0xcb: {  	s4 =	sand.u32 $0x4000, s31;
	s1 =	sadd.s32 s1, s30  }
0xcc: {  	s0 =	sor.u32 s4, s0;
	s1 =	sshll.u32 s1, $0x11  }
0xcd: {  	s0 =	sor.u32 s1, s0  }
0xce: {  	s0 =	sadd.s32 $0x8F2B, s0  }
0xcf: {  	[sflag:s0] =	ssyncadd.remote.s32 $0x1  }
0xd0: {  	_ =	sfence.sel $0xFFFF  }
0xd1: {  	[dreg:$0x0] =	wrdreg $0xFFFFFFFF;
	(pc) =	sbr.abs _section_cstart, $3  }
0xd2: {  	[dreg:$0x1] =	wrdreg $0xFFFFFFFF  }
0xd3: {  	_ =	task.clear_ibuf [dreg:s22], $0x2FFFF;
	_ =	strace $0x9FFFFFFF  }
0xd4: {  	(tm) =	ssettm $0x7FFFFFFF  }
0xd5: {  	_ =	shalt  }
tec
execute0_lowered:
.L_overlay_start_1:
0x0: {  	(tag) =	ssettag $0x1  }
0x1: {  	s1 =	rddreg [dreg:$0x0]  }
0x2: {  	s2 =	rddreg [dreg:$0x1]  }
0x3: {  	s8 =	rddreg [dreg:$0x2]  }
0x4: {  	s4 =	rddreg [dreg:$0x3]  }
0x5: {  	s0 =	rddreg [dreg:$0x4];
	s5 =	simm.s32 $0x0  }
0x6: {  	s3 =	stileid.u32;
	s9 =	srdreg.scid;
	s16 =	simm.s32 $0x14000  }
0x7: {  	s17 =	simm.s32 $0x14080;
	s18 =	simm.s32 $0x80;
	s19 =	simm.s32 $0x14100  }
0x8: {  	s20 =	simm.s32 $0x1;
	s21 =	simm.s32 $0x0;
	s7 =	smul.u32 $0x9E0, s3  }
0x9: {  	[smem:$0x7FF] =	sst s5;
	s6 =	smul.u32 $0x2800, s3;
	s14 =	sand.u32 $0x1, s9  }
0xa: {  	s11 =	smul.u32 $0x50000, s3;
	s31 =	sshll.u32 s3, $0x6;
	_ =	strace $0x8000004A  }
0xb: {  	s10 =	ssub.s32 $0x2, s14;
	p0 =	sne.s32 s14, $0x0;
	s13 =	sadd.s32 s7, s8  }
.Ltmp0:
0xc: {  	s29 =	sadd.s32 s6, s8;
	s7 =	sadd.s32 $0x91000, s8;
	(pc) =	sbr.rel .LBB2_1-.Ltmp0, $4  }
0xd: {  	s8 =	sadd.s32 $0xB9000, s8;
	s12 =	sshrl.u32 s10, $0x1;
	s30 =	sshrl.u32 s11, $0x2  }
0xe: {  	s12 =	ssub.s32 s10, s12;
	s15 =	sadd.s32 s30, s4;
	s9 =	sadd.s32 $0xF200, s29  }
0xf: {  	s10 =	sor.u32 $0x1C02, s31;
	s11 =	smax.u32 s12, $0x1;
	s12 =	sadd.s32 $0x5400, s13  }
0x10: {  	s13 =	sadd.s32 $0x87200, s13;
	s14 =	sshrl.u32 s15, $0x3;
	s15 =	simm.s32 $0x2  }
.LBB2_7:
0x11: {  	s23 =	sadd.s32 s22, s13;
	[sflag:s15] =	ssyncadd.s32 $0xFFFFC000  }
0x12: {  	[tilespmem:s16], [sflag:$0x2] =	stream.linear.gather [hbm4b:s23+s5], $0x80, $0x38;
	[tilespmem:$0x18100] =	vst v63  }
0x13: {  	_ =	swait.ge [sflag:s15], $0x80  }
0x14: {  	[sflag:s15] =	ssyncset.done $0x0  }
0x15: {  	s31 =	sadd.s32 s22, s12;
	[sflag:s15] =	ssyncadd.s32 $0xFFFFFF80  }
0x16: {  	[tilespmem:s17], [sflag:$0x2] =	stream.linear.gather [hbm4b:s31+s5], $0x80, $0x38;
	[tilespmem:$0x18100] =	vst v63  }
0x17: {  	_ =	swait.ge [sflag:s15], $0x80  }
0x18: {  	[sflag:s15] =	ssyncset.done $0x0  }
0x19: {  	[sflag:s15] =	ssyncadd.s32 $0xFFFFFF80  }
0x1a: {  	[tilespmem:s19], [sflag:$0x1] =	stream.indirect.gather [hbm4b:s2+s18], $0x80, s16, s18, $0xb8;
	[tilespmem:$0x18100] =	vst v63  }
0x1b: {  	_ =	swait.ge [sflag:s20], $0x4000  }
0x1c: {  	[sflag:s20] =	ssyncset.done $0x0  }
0x1d: {  	[sflag:s20] =	ssyncadd.s32 $0xFFFFC000  }
0x1e: {  	[spmem:s4] =	stream.indirect.scatter.add.f32 [tilespmem:s19], [sflag:$0x2], $0x80, s17, s18, $0xb8;
	[tilespmem:$0x18100] =	vst v63  }
0x1f: {  	_ =	swait.ge [sflag:s15], $0x4000  }
0x20: {  	[sflag:s15] =	ssyncset.done $0x0  }
0x21: {  	s22 =	smov.u32 s8;
	[sflag:s15] =	ssyncadd.s32 $0xFFFFC000  }
.LBB2_8:
0x22: {  	s21 =	sadd.s32 $0x1, s21  }
0x23: {  	p1 =	sne.s32 s21, s11  }
.Ltmp1:
0x24: {  	s22 =	sadd.s32 s22, s6;
	[bflag:$0x0] =	sbarrier.arrive $0xFFFF;
	(pc) =	sbr.rel @!p1 .LBB2_9-.Ltmp1, $4  }
0x25: {  	[hbm:s22], [sflag:s10] =	dma.local [spmem:s14], $0x2800  }
0x26: {  	_ =	swait.ge [sflag:s15], $0x2800  }
0x27: {  	[sflag:s15] =	ssyncset.done $0x0  }
0x28: {  	[sflag:s15] =	ssyncadd.s32 $0xFFFFD800  }
.LBB2_1:
0x29: {  	[spmem:s14], [sflag:s10] =	dma.local [hbm:s9], $0x2800  }
.Ltmp2:
0x2a: {  	_ =	swait.ge [sflag:s15], $0x2800;
	(pc) =	sbr.rel @p0 .LBB2_5-.Ltmp2, $4  }
0x2b: {  	[sflag:s15] =	ssyncset.done $0x0  }
0x2c: {  	[sflag:s15] =	ssyncadd.s32 $0xFFFFD800  }
0x2d: {  	[bflag:$0x0] =	sbarrier.arrive $0xFFFF  }
0x2e: {  	s22 =	sadd.s32 $0x0, s13  }
0x2f: {  	[tilespmem:s16], [sflag:$0x2] =	stream.linear.gather [hbm4b:s22+s5], $0x80, $0x38;
	[tilespmem:$0x18100] =	vst v63  }
0x30: {  	_ =	swait.ge [sflag:s15], $0x80  }
0x31: {  	[sflag:s15] =	ssyncset.done $0x0  }
0x32: {  	s31 =	sadd.s32 $0x0, s12;
	[sflag:s15] =	ssyncadd.s32 $0xFFFFFF80  }
0x33: {  	[tilespmem:s17], [sflag:$0x2] =	stream.linear.gather [hbm4b:s31+s5], $0x80, $0x38;
	[tilespmem:$0x18100] =	vst v63  }
0x34: {  	_ =	swait.ge [sflag:s15], $0x80  }
0x35: {  	[sflag:s15] =	ssyncset.done $0x0  }
0x36: {  	[sflag:s15] =	ssyncadd.s32 $0xFFFFFF80  }
0x37: {  	[tilespmem:s19], [sflag:$0x1] =	stream.indirect.gather [hbm4b:s1+s18], $0x80, s16, s18, $0xb8;
	[tilespmem:$0x18100] =	vst v63  }
0x38: {  	_ =	swait.ge [sflag:s20], $0x4000  }
0x39: {  	[sflag:s20] =	ssyncset.done $0x0  }
0x3a: {  	[sflag:s20] =	ssyncadd.s32 $0xFFFFC000  }
0x3b: {  	[spmem:s4] =	stream.indirect.scatter.add.f32 [tilespmem:s19], [sflag:$0x2], $0x80, s17, s18, $0xb8;
	[tilespmem:$0x18100] =	vst v63  }
0x3c: {  	_ =	swait.ge [sflag:s15], $0x4000  }
0x3d: {  	s22 =	simm.s32 $0x10;
	s23 =	simm.s32 $0x20;
	[sflag:s15] =	ssyncset.done $0x0  }
.LBB2_3:
0x3e: {  	s24 =	sadd.s32 s22, s13  }
0x3f: {  	[sflag:s15] =	ssyncadd.s32 $0xFFFFC000;
	s25 =	smov.u32 s23;
	s26 =	sadd.s32 $0x10, s23  }
0x40: {  	[tilespmem:s16], [sflag:$0x2] =	stream.linear.gather [hbm4b:s24+s5], $0x80, $0x38;
	[tilespmem:$0x18100] =	vst v63  }
0x41: {  	p1 =	seq.s32 s23, $0x9D0;
	_ =	swait.ge [sflag:s15], $0x80  }
0x42: {  	[sflag:s15] =	ssyncset.done $0x0  }
0x43: {  	s23 =	sadd.s32 s22, s12;
	s22 =	smov.u32 s25;
	[sflag:s15] =	ssyncadd.s32 $0xFFFFFF80  }
0x44: {  	[tilespmem:s17], [sflag:$0x2] =	stream.linear.gather [hbm4b:s23+s5], $0x80, $0x38;
	[tilespmem:$0x18100] =	vst v63  }
0x45: {  	_ =	swait.ge [sflag:s15], $0x80  }
0x46: {  	[sflag:s15] =	ssyncset.done $0x0  }
0x47: {  	[sflag:s15] =	ssyncadd.s32 $0xFFFFFF80  }
0x48: {  	[tilespmem:s19], [sflag:$0x1] =	stream.indirect.gather [hbm4b:s1+s18], $0x80, s16, s18, $0xb8;
	[tilespmem:$0x18100] =	vst v63  }
0x49: {  	_ =	swait.ge [sflag:s20], $0x4000  }
.Ltmp3:
0x4a: {  	[sflag:s20] =	ssyncset.done $0x0;
	(pc) =	sbr.rel @!p1 .LBB2_3-.Ltmp3, $4  }
0x4b: {  	[sflag:s20] =	ssyncadd.s32 $0xFFFFC000  }
0x4c: {  	[spmem:s4] =	stream.indirect.scatter.add.f32 [tilespmem:s19], [sflag:$0x2], $0x80, s17, s18, $0xb8;
	[tilespmem:$0x18100] =	vst v63  }
0x4d: {  	_ =	swait.ge [sflag:s15], $0x4000  }
0x4e: {  	s23 =	smov.u32 s26;
	[sflag:s15] =	ssyncset.done $0x0  }
0x4f: {  	s23 =	sadd.s32 s22, s13;
	[sflag:s15] =	ssyncadd.s32 $0xFFFFC000  }
0x50: {  	[tilespmem:s16], [sflag:$0x2] =	stream.linear.gather [hbm4b:s23+s5], $0x80, $0x38;
	[tilespmem:$0x18100] =	vst v63  }
0x51: {  	_ =	swait.ge [sflag:s15], $0x80  }
0x52: {  	[sflag:s15] =	ssyncset.done $0x0  }
0x53: {  	s31 =	sadd.s32 s22, s12;
	[sflag:s15] =	ssyncadd.s32 $0xFFFFFF80  }
0x54: {  	[tilespmem:s17], [sflag:$0x2] =	stream.linear.gather [hbm4b:s31+s5], $0x80, $0x38;
	[tilespmem:$0x18100] =	vst v63  }
0x55: {  	_ =	swait.ge [sflag:s15], $0x80  }
0x56: {  	[sflag:s15] =	ssyncset.done $0x0  }
0x57: {  	[sflag:s15] =	ssyncadd.s32 $0xFFFFFF80  }
0x58: {  	[tilespmem:s19], [sflag:$0x1] =	stream.indirect.gather [hbm4b:s1+s18], $0x80, s16, s18, $0xb8;
	[tilespmem:$0x18100] =	vst v63  }
0x59: {  	_ =	swait.ge [sflag:s20], $0x4000  }
0x5a: {  	[sflag:s20] =	ssyncset.done $0x0  }
.Ltmp4:
0x5b: {  	[sflag:s20] =	ssyncadd.s32 $0xFFFFC000;
	(pc) =	sbr.rel .LBB2_8-.Ltmp4, $4  }
0x5c: {  	[spmem:s4] =	stream.indirect.scatter.add.f32 [tilespmem:s19], [sflag:$0x2], $0x80, s17, s18, $0xb8;
	[tilespmem:$0x18100] =	vst v63  }
0x5d: {  	_ =	swait.ge [sflag:s15], $0x4000  }
0x5e: {  	[sflag:s15] =	ssyncset.done $0x0  }
0x5f: {  	s22 =	smov.u32 s7;
	[sflag:s15] =	ssyncadd.s32 $0xFFFFC000  }
.LBB2_5:
0x60: {  	[tilespmem:s16], [sflag:$0x2] =	stream.linear.gather [hbm4b:s22+s5], $0x80, $0x38;
	[tilespmem:$0x18100] =	vst v63  }
0x61: {  	_ =	swait.ge [sflag:s15], $0x80  }
0x62: {  	[sflag:s15] =	ssyncset.done $0x0  }
0x63: {  	s31 =	sadd.s32 $0x0, s12;
	[sflag:s15] =	ssyncadd.s32 $0xFFFFFF80  }
0x64: {  	[tilespmem:s17], [sflag:$0x2] =	stream.linear.gather [hbm4b:s31+s5], $0x80, $0x38;
	[tilespmem:$0x18100] =	vst v63  }
0x65: {  	_ =	swait.ge [sflag:s15], $0x80  }
0x66: {  	[sflag:s15] =	ssyncset.done $0x0  }
0x67: {  	[sflag:s15] =	ssyncadd.s32 $0xFFFFFF80  }
0x68: {  	[tilespmem:s19], [sflag:$0x1] =	stream.indirect.gather [hbm4b:s2+s18], $0x80, s16, s18, $0xb8;
	[tilespmem:$0x18100] =	vst v63  }
0x69: {  	_ =	swait.ge [sflag:s20], $0x4000  }
0x6a: {  	[sflag:s20] =	ssyncset.done $0x0  }
0x6b: {  	[sflag:s20] =	ssyncadd.s32 $0xFFFFC000  }
0x6c: {  	[spmem:s4] =	stream.indirect.scatter.add.f32 [tilespmem:s19], [sflag:$0x2], $0x80, s17, s18, $0xb8;
	[tilespmem:$0x18100] =	vst v63  }
0x6d: {  	_ =	swait.ge [sflag:s15], $0x4000  }
0x6e: {  	s22 =	simm.s32 $0x10;
	s23 =	simm.s32 $0x20;
	[sflag:s15] =	ssyncset.done $0x0  }
.LBB2_6:
0x6f: {  	s24 =	sadd.s32 s22, s13  }
0x70: {  	[sflag:s15] =	ssyncadd.s32 $0xFFFFC000;
	s25 =	smov.u32 s23;
	s26 =	sadd.s32 $0x10, s23  }
0x71: {  	[tilespmem:s16], [sflag:$0x2] =	stream.linear.gather [hbm4b:s24+s5], $0x80, $0x38;
	[tilespmem:$0x18100] =	vst v63  }
0x72: {  	p1 =	sne.s32 s23, $0x9D0;
	_ =	swait.ge [sflag:s15], $0x80  }
0x73: {  	[sflag:s15] =	ssyncset.done $0x0  }
0x74: {  	s23 =	sadd.s32 s22, s12;
	s22 =	smov.u32 s25;
	[sflag:s15] =	ssyncadd.s32 $0xFFFFFF80  }
0x75: {  	[tilespmem:s17], [sflag:$0x2] =	stream.linear.gather [hbm4b:s23+s5], $0x80, $0x38;
	[tilespmem:$0x18100] =	vst v63  }
0x76: {  	_ =	swait.ge [sflag:s15], $0x80  }
0x77: {  	[sflag:s15] =	ssyncset.done $0x0  }
0x78: {  	[sflag:s15] =	ssyncadd.s32 $0xFFFFFF80  }
0x79: {  	[tilespmem:s19], [sflag:$0x1] =	stream.indirect.gather [hbm4b:s2+s18], $0x80, s16, s18, $0xb8;
	[tilespmem:$0x18100] =	vst v63  }
0x7a: {  	_ =	swait.ge [sflag:s20], $0x4000  }
.Ltmp5:
0x7b: {  	[sflag:s20] =	ssyncset.done $0x0;
	(pc) =	sbr.rel @p1 .LBB2_6-.Ltmp5, $4  }
0x7c: {  	[sflag:s20] =	ssyncadd.s32 $0xFFFFC000  }
0x7d: {  	[spmem:s4] =	stream.indirect.scatter.add.f32 [tilespmem:s19], [sflag:$0x2], $0x80, s17, s18, $0xb8;
	[tilespmem:$0x18100] =	vst v63  }
0x7e: {  	_ =	swait.ge [sflag:s15], $0x4000  }
0x7f: {  	s23 =	smov.u32 s26;
	[sflag:s15] =	ssyncset.done $0x0  }
.Ltmp6:
0x80: {  	_ = 	snop;
	(pc) =	sbr.rel .LBB2_7-.Ltmp6, $1  }
0x81: {  	_ =	sdelay $0x3  }
.LBB2_9:
0x82: {  	_ =	sfence.sel $0x180000  }
0x83: {  	[bflag:$0x0] =	sbarrier.arrive $0xFFFF  }
0x84: {  	p0 =	sne.s32 s3, $0x0;
	_ =	strace $0x9000004A  }
0x85: {  	s0 =	sadd.s32 @!p0 $0x100000, s0;
	[bflag:$0x2] =	sbarrier.arrive $0xFFFF  }
0x86: {  	[sflag:s0] =	ssyncadd.tile.s32 @!p0 $0x1;
	_ =	shalt  }
.Lfunc_end2:
_tile_overlayer_lowered:
.L_overlay_start_2:
0x87: {  	(tag) =	ssettag $0x2  }
0x88: {  	s0 =	rddreg [dreg:$0x0];
	s2 =	stileid.u32  }
0x89: {  	s1 =	rddreg [dreg:$0x1];
	p0 =	sne.s32 s2, $0x0  }
0x8a: {  	s3 =	rddreg [dreg:$0x2];
	[bflag:$0x3] =	sbarrier.arrive $0xFFFF;
	s2 =	simm.s32 @!p0 $0x1C02  }
0x8b: {  	[timem:s3], [sflag:s2] =	dma.local @!p0 [hbm:s0], s1  }
0x8c: {  	s0 =	simm.s32 @!p0 $0x2  }
0x8d: {  	_ =	swait.ge @!p0 [sflag:s0], s1  }
0x8e: {  	s1 =	ssub.s32 @!p0 $0x0, s1;
	[sflag:s0] =	ssyncset.done @!p0 $0x0  }
0x8f: {  	[sflag:s0] =	ssyncadd.s32 @!p0 s1  }
0x90: {  	[bflag:$0x3] =	sbarrier.arrive $0xFFFF  }
0x91: {  	_ =	shalt  }

// kernel: kernel.15.cloned.1.call-start
scs
__scs_entry_jumppad:
0x0: {  	(pc) =	sbr.rel $0x88, $3  }
0x1: {  	(tag) =	ssettag $0x0;
	lr =	simm.s32 $0x1  }
0x2: {  	[smem:$0x3F92] =	sst lr;
	_ =	strace $0xD0000000  }
0x3: {  	_ = 	snop  }
0x4: {  	_ = 	snop  }
0x5: {  	_ = 	snop  }
0x6: {  	_ = 	snop  }
0x7: {  	_ = 	snop  }
__scs_overlays_trampoline_lowered:
0x8: {  	[smem:$0x3FA1] =	sst s0  }
0x9: {  	[smem:$0x3FA2] =	sst s1  }
0xa: {  	[smem:$0x3FA3] =	sst s2  }
0xb: {  	[smem:$0x3FA4] =	sst s3  }
0xc: {  	[smem:$0x3FA5] =	sst s4  }
0xd: {  	[smem:$0x3FA6] =	sst s5  }
0xe: {  	[smem:$0x3FA7] =	sst s6  }
0xf: {  	[smem:$0x3FA8] =	sst s7  }
0x10: {  	[smem:$0x3FA9] =	sst s8  }
0x11: {  	[smem:$0x3FAA] =	sst s9;
	s0 =	simm.s32 @!p0 $0x0  }
0x12: {  	s1 =	sld [smem:$0x3F90];
	s0 =	simm.s32 @p0 $0x1  }
0x13: {  	[smem:$0x3FAB] =	sst s0;
	s0 =	simm.s32 @!p1 $0x0  }
0x14: {  	s2 =	sld [smem:$0x3F8F];
	s0 =	simm.s32 @p1 $0x1  }
0x15: {  	[smem:$0x3FAC] =	sst s0;
	s0 =	simm.s32 @!p2 $0x0  }
0x16: {  	s3 =	sld [smem:$0x3FDB];
	s0 =	simm.s32 @p2 $0x1  }
0x17: {  	s4 =	simm.s32 $0x1BF5;
	[smem:$0x3FAE] =	sst s0  }
0x18: {  	s0 =	sld [smem:$0x3F91];
	_ =	swait.ge [sflag:s4], $0x0  }
0x19: {  	s7 =	sld [smem:$0x3F92]  }
0x1a: {  	s8 =	sadd.s32 $0xFFFFE003, lr  }
0x1b: {  	s9 =	sadd.s32 $0xFFFFFEF7, lr;
	s5 =	simm.s32 $0xFFFFFFFF;
	p2 =	slt.u32 s8, $0xFFFFF086  }
0x1c: {  	p1 =	slt.u32 s9, $0xF7A;
	s5 =	simm.s32 @!p2 $0x0  }
0x1d: {  	s5 =	simm.s32 @p1 $0x1;
	p0 =	seq.s32 s7, s2  }
0x1e: {  	s7 =	smul.u32 @!p0 $0xF7A, s2;
	p2 =	seq.s32 @!p0 s5, $0x0  }
0x1f: {  	s9 =	smul.u32 $0xF7A, s1;
	s8 =	simm.s32 @!p0 $0x1BF5;
	p2 =	por !p2, p0  }
0x20: {  	[sflag:s8] =	ssyncset.s32 @!p0 $0xFFFFF086;
	s6 =	sadd.s32 @!p0 s3, s7;
	s7 =	simm.s32 @!p0 $0x108  }
0x21: {  	s3 =	sadd.s32 s3, s9;
	s6 =	sadd.s32 @!p0 $0x88, s6;
	s7 =	simm.s32 @p2 $0x1082  }
0x22: {  	[simem:s7], [sflag:s8] =	dma.local @!p0 [hbm:s6], $0xF7A  }
0x23: {  	s9 =	sor.u32 $0xD0000000, s2;
	s6 =	simm.s32 $0x108;
	_ =	swait.ge @!p0 [sflag:s8], $0x0  }
0x24: {  	s3 =	sadd.s32 $0x88, s3;
	s6 =	simm.s32 @!p1 $0x1082;
	[sflag:s4] =	ssyncset.s32 $0xFFFFF086  }
0x25: {  	[simem:s6], [sflag:s4] =	dma.local [hbm:s3], $0xF7A  }
0x26: {  	[smem:$0x3F92] =	sst s1;
	(tag) =	ssettag s2;
	_ =	strace s9  }
0x27: {  	s1 =	sld [smem:$0x3FA2]  }
0x28: {  	s2 =	sld [smem:$0x3FA3]  }
0x29: {  	s4 =	sld [smem:$0x3FA5]  }
0x2a: {  	p0 =	seq.s32 s5, $0x0;
	s5 =	sld [smem:$0x3FA6]  }
0x2b: {  	s6 =	sld [smem:$0x3FA7]  }
0x2c: {  	s7 =	sld [smem:$0x3FA8]  }
0x2d: {  	s3 =	simm.s32 $0x108;
	s8 =	sld [smem:$0x3FA9]  }
0x2e: {  	s3 =	simm.s32 @!p0 $0x1082;
	s9 =	sld [smem:$0x3FAA]  }
0x2f: {  	lr =	sadd.s32 s0, s3;
	s0 =	sld [smem:$0x3FA1]  }
0x30: {  	s3 =	sld [smem:$0x3FA4]  }
0x31: {  	[smem:$0x3FAD] =	sst s10  }
0x32: {  	s10 =	sld [smem:$0x3FAB];
	_ =	sdelay $0x3  }
0x33: {  	p0 =	seq.s32 s10, $0x1;
	s10 =	sld [smem:$0x3FAD];
	_ =	sdelay $0x3  }
0x34: {  	[smem:$0x3FAD] =	sst s10  }
0x35: {  	s10 =	sld [smem:$0x3FAC];
	_ =	sdelay $0x3  }
0x36: {  	p1 =	seq.s32 s10, $0x1;
	s10 =	sld [smem:$0x3FAD];
	_ =	sdelay $0x3  }
0x37: {  	[smem:$0x3FAD] =	sst s10  }
0x38: {  	s10 =	sld [smem:$0x3FAE]  }
0x39: {  	_ = 	snop;
	(pc) =	sbr.ind lr, $3  }
0x3a: {  	_ = 	snop  }
0x3b: {  	_ = 	snop  }
0x3c: {  	p2 =	seq.s32 s10, $0x1;
	s10 =	sld [smem:$0x3FAD]  }
0x3d: {  	_ =	shalt  }
0x3e: {  	_ =	shalt  }
0x3f: {  	_ =	shalt  }
0x40: {  	_ =	shalt  }
0x41: {  	_ =	shalt  }
0x42: {  	_ =	shalt  }
0x43: {  	_ =	shalt  }
0x44: {  	_ =	shalt  }
0x45: {  	_ =	shalt  }
0x46: {  	_ =	shalt  }
0x47: {  	_ =	shalt  }
0x48: {  	_ =	shalt  }
0x49: {  	_ =	shalt  }
0x4a: {  	_ =	shalt  }
0x4b: {  	_ =	shalt  }
0x4c: {  	_ =	shalt  }
0x4d: {  	_ =	shalt  }
0x4e: {  	_ =	shalt  }
0x4f: {  	_ =	shalt  }
0x50: {  	_ =	shalt  }
0x51: {  	_ =	shalt  }
0x52: {  	_ =	shalt  }
0x53: {  	_ =	shalt  }
0x54: {  	_ =	shalt  }
0x55: {  	_ =	shalt  }
0x56: {  	_ =	shalt  }
0x57: {  	_ =	shalt  }
0x58: {  	_ =	shalt  }
0x59: {  	_ =	shalt  }
0x5a: {  	_ =	shalt  }
0x5b: {  	_ =	shalt  }
0x5c: {  	_ =	shalt  }
0x5d: {  	_ =	shalt  }
0x5e: {  	_ =	shalt  }
0x5f: {  	_ =	shalt  }
0x60: {  	_ =	shalt  }
0x61: {  	_ =	shalt  }
0x62: {  	_ =	shalt  }
0x63: {  	_ =	shalt  }
0x64: {  	_ =	shalt  }
0x65: {  	_ =	shalt  }
0x66: {  	_ =	shalt  }
0x67: {  	_ =	shalt  }
0x68: {  	_ =	shalt  }
0x69: {  	_ =	shalt  }
0x6a: {  	_ =	shalt  }
0x6b: {  	_ =	shalt  }
0x6c: {  	_ =	shalt  }
0x6d: {  	_ =	shalt  }
0x6e: {  	_ =	shalt  }
0x6f: {  	_ =	shalt  }
0x70: {  	_ =	shalt  }
0x71: {  	_ =	shalt  }
0x72: {  	_ =	shalt  }
0x73: {  	_ =	shalt  }
0x74: {  	_ =	shalt  }
0x75: {  	_ =	shalt  }
0x76: {  	_ =	shalt  }
0x77: {  	_ =	shalt  }
0x78: {  	_ =	shalt  }
0x79: {  	_ =	shalt  }
0x7a: {  	_ =	shalt  }
0x7b: {  	_ =	shalt  }
0x7c: {  	_ =	shalt  }
0x7d: {  	_ =	shalt  }
0x7e: {  	_ =	shalt  }
0x7f: {  	_ =	shalt  }
0x80: {  	_ =	shalt  }
0x81: {  	_ =	shalt  }
0x82: {  	_ =	shalt  }
0x83: {  	_ =	shalt  }
0x84: {  	_ =	shalt  }
0x85: {  	_ =	shalt  }
0x86: {  	_ =	shalt  }
0x87: {  	_ =	shalt  }
.Lfunc_end0:
.L_simem_size_0:
called_computation.2_lowered:
.L_overlay_start_0:
0x88: {  	s2 =	sld [smem:$0x3FD9]  }
0x89: {  	s3 =	sld [smem:$0x3FFE];
	_ =	sdelay $0x1  }
0x8a: {  	s1 =	srdreg.scid  }
0x8b: {  	s0 =	sand.u32 $0x1, s1  }
0x8c: {  	s16 =	sshll.u32 s0, $0xA;
	s2 =	sadd.s32 s3, s2  }
0x8d: {  	s2 =	sadd.s32 s2, s16  }
0x8e: {  	[smem:$0x3FB9] =	sst s2  }
0x8f: {  	_ = 	snop  }
0x90: {  	(tm) =	ssettm $0x1  }
0x91: {  	s17 =	sld [smem:$0x3FFB];
	_ =	sdelay $0x3  }
0x92: {  	_ =	strace s17  }
0x93: {  	s2 =	sld [smem:$0x3FFC];
	_ =	sdelay $0x3  }
0x94: {  	_ =	strace s2  }
0x95: {  	s2 =	sld [smem:$0x3FFD];
	_ =	sdelay $0x3  }
0x96: {  	_ =	strace s2  }
0x97: {  	_ =	strace $0x8FFFFFFF  }
0x98: {  	s18 =	sld [smem:$0x3FDB];
	_ =	sdelay $0x1  }
0x99: {  	s19 =	simm.s32 $_scs_section_size  }
0x9a: {  	s4 =	simm.s32 $_size__tile_overlayer_lowered;
	s5 =	simm.s32 $_tile_overlayer_lowered  }
0x9b: {  	s22 =	simm.s32 $0x1BFF;
	s21 =	sshll.u32 s5, $0x1;
	s2 =	sadd.s32 s19, s18  }
0x9c: {  	s6 =	simm.s32 $0x0;
	s20 =	sshll.u32 s4, $0x1;
	s4 =	sadd.s32 s21, s2  }
0x9d: {  	[timem:s6], [sflag:s22] =	dma.local [hbm:s4], s20  }
0x9e: {  	_ =	swait.ge [sflag:s22], s20  }
0x9f: {  	s3 =	ssub.s32 $0x0, s20;
	[sflag:s22] =	ssyncset.done $0x0  }
0xa0: {  	[sflag:s22] =	ssyncadd.s32 s3;
	_ =	sdelay $0x1  }
0xa1: {  	s23 =	simm.s32 $0x1B8B  }
0xa2: {  	_ =	swait.ge [sflag:s23], $0x1  }
0xa3: {  	[sflag:s23] =	ssyncset.done $0x0  }
0xa4: {  	s25 =	simm.s32 $0x1B8E;
	s24 =	sld [smem:$0x3FFE];
	[sflag:s23] =	ssyncadd.s32 $0xFFFFFFFF  }
0xa5: {  	s26 =	simm.s32 $execute0_lowered;
	[smem:$0x3FD2] =	sst s25  }
0xa6: {  	s4 =	sshll.u32 s26, $0x1;
	_ =	strace $0x8000004C;
	[dreg:$0x1] =	wrdreg $0xFFFFFFFF  }
0xa7: {  	s28 =	simm.s32 $_size_execute0_lowered;
	s2 =	sadd.s32 s2, s4;
	[dreg:$0x0] =	wrdreg $0x0  }
0xa8: {  	s4 =	sshll.u32 s28, $0x1;
	[dreg:$0x2] =	wrdreg s2  }
0xa9: {  	[dreg:$0x3] =	wrdreg s4  }
0xaa: {  	[dreg:$0x4] =	wrdreg $0xC0  }
0xab: {  	_ =	task [dreg:s6], $0x5FFFF  }
0xac: {  	[dreg:$0x1] =	wrdreg $0xFFFFFFFF  }
0xad: {  	[dreg:$0x0] =	wrdreg $0x60  }
0xae: {  	[dreg:$0x2] =	wrdreg s24  }
0xaf: {  	[dreg:$0x3] =	wrdreg $0x0  }
0xb0: {  	[dreg:$0x4] =	wrdreg $0x9  }
0xb1: {  	_ =	task.clear_ibuf [dreg:s6], $0x5FFFF;
	_ =	strace $0x9000004C  }
0xb2: {  	s29 =	simm.s32 $0x9;
	_ =	strace $0x8000004E  }
0xb3: {  	_ =	swait.ge [sflag:s29], $0x1  }
0xb4: {  	[sflag:s29] =	ssyncadd.s32 $0xFFFFFFFF  }
0xb5: {  	_ =	strace $0x9000004E  }
0xb6: {  	_ =	sfence  }
0xb7: {  	s30 =	sld [smem:$0x0];
	_ =	sdelay $0x2  }
0xb8: {  	s31 =	sshll.u32 s1, $0xD;
	s1 =	sshrl.u32 s1, $0x2  }
0xb9: {  	s3 =	sand.u32 $0x4000, s31;
	s1 =	sadd.s32 s1, s30  }
0xba: {  	s0 =	sor.u32 s3, s0;
	s1 =	sshll.u32 s1, $0x11  }
0xbb: {  	s0 =	sor.u32 s1, s0  }
0xbc: {  	s0 =	sadd.s32 $0x8F2B, s0  }
0xbd: {  	[sflag:s0] =	ssyncadd.remote.s32 $0x1  }
0xbe: {  	_ =	sfence.sel $0xFFFF  }
0xbf: {  	[dreg:$0x0] =	wrdreg $0xFFFFFFFF;
	(pc) =	sbr.abs _section_cstart, $3  }
0xc0: {  	[dreg:$0x1] =	wrdreg $0xFFFFFFFF  }
0xc1: {  	_ =	task.clear_ibuf [dreg:s6], $0x2FFFF;
	_ =	strace $0x9FFFFFFF  }
0xc2: {  	(tm) =	ssettm $0x7FFFFFFF  }
0xc3: {  	_ =	shalt  }
tec
execute0_lowered:
.L_overlay_start_1:
0x0: {  	(tag) =	ssettag $0x1  }
0x1: {  	s8 =	rddreg [dreg:$0x0]  }
0x2: {  	s2 =	rddreg [dreg:$0x1]  }
0x3: {  	s0 =	rddreg [dreg:$0x2]  }
0x4: {  	s3 =	simm.s32 $0x0;
	s1 =	stileid.u32;
	s9 =	srdreg.scid  }
0x5: {  	s16 =	simm.s32 $0x14000;
	s17 =	simm.s32 $0x14080;
	s18 =	simm.s32 $0x80  }
0x6: {  	s19 =	simm.s32 $0x14100;
	s20 =	simm.s32 $0x1;
	s21 =	simm.s32 $0x0  }
0x7: {  	[smem:$0x7FF] =	sst s3;
	s7 =	smul.u32 $0x9E0, s1;
	s4 =	sadd.s32 $0x5E400, s8  }
0x8: {  	s5 =	smul.u32 $0x2800, s1;
	s6 =	sadd.s32 $0x91000, s8;
	s14 =	sand.u32 $0x1, s9  }
0x9: {  	s11 =	smul.u32 $0x50000, s1;
	s31 =	sshll.u32 s1, $0x6;
	_ =	strace $0x8000004D  }
0xa: {  	s10 =	ssub.s32 $0x2, s14;
	p0 =	sne.s32 s14, $0x0;
	s13 =	sadd.s32 s7, s8  }
.Ltmp0:
0xb: {  	s29 =	sadd.s32 s5, s8;
	s7 =	sadd.s32 $0xB8200, s8;
	(pc) =	sbr.rel .LBB2_1-.Ltmp0, $4  }
0xc: {  	s8 =	sadd.s32 $0xE0200, s8;
	s12 =	sshrl.u32 s10, $0x1;
	s30 =	sshrl.u32 s11, $0x2  }
0xd: {  	s12 =	ssub.s32 s10, s12;
	s15 =	sadd.s32 s30, s2;
	s9 =	sadd.s32 $0xF200, s29  }
0xe: {  	s10 =	sor.u32 $0x1C02, s31;
	s11 =	smax.u32 s12, $0x1;
	s12 =	sadd.s32 $0x5400, s13  }
0xf: {  	s13 =	sadd.s32 $0x87200, s13;
	s14 =	sshrl.u32 s15, $0x3;
	s15 =	simm.s32 $0x2  }
.LBB2_7:
0x10: {  	s23 =	sadd.s32 s22, s13;
	[sflag:s15] =	ssyncadd.s32 $0xFFFFC000  }
0x11: {  	[tilespmem:s16], [sflag:$0x2] =	stream.linear.gather [hbm4b:s23+s3], $0x80, $0x38;
	[tilespmem:$0x18100] =	vst v63  }
0x12: {  	_ =	swait.ge [sflag:s15], $0x80  }
0x13: {  	[sflag:s15] =	ssyncset.done $0x0  }
0x14: {  	s31 =	sadd.s32 s22, s12;
	[sflag:s15] =	ssyncadd.s32 $0xFFFFFF80  }
0x15: {  	[tilespmem:s17], [sflag:$0x2] =	stream.linear.gather [hbm4b:s31+s3], $0x80, $0x38;
	[tilespmem:$0x18100] =	vst v63  }
0x16: {  	_ =	swait.ge [sflag:s15], $0x80  }
0x17: {  	[sflag:s15] =	ssyncset.done $0x0  }
0x18: {  	[sflag:s15] =	ssyncadd.s32 $0xFFFFFF80  }
0x19: {  	[tilespmem:s19], [sflag:$0x1] =	stream.indirect.gather [hbm4b:s6+s18], $0x80, s16, s18, $0xb8;
	[tilespmem:$0x18100] =	vst v63  }
0x1a: {  	_ =	swait.ge [sflag:s20], $0x4000  }
0x1b: {  	[sflag:s20] =	ssyncset.done $0x0  }
0x1c: {  	[sflag:s20] =	ssyncadd.s32 $0xFFFFC000  }
0x1d: {  	[spmem:s2] =	stream.indirect.scatter.add.f32 [tilespmem:s19], [sflag:$0x2], $0x80, s17, s18, $0xb8;
	[tilespmem:$0x18100] =	vst v63  }
0x1e: {  	_ =	swait.ge [sflag:s15], $0x4000  }
0x1f: {  	[sflag:s15] =	ssyncset.done $0x0  }
0x20: {  	s22 =	smov.u32 s8;
	[sflag:s15] =	ssyncadd.s32 $0xFFFFC000  }
.LBB2_8:
0x21: {  	s21 =	sadd.s32 $0x1, s21  }
0x22: {  	p1 =	sne.s32 s21, s11  }
.Ltmp1:
0x23: {  	s22 =	sadd.s32 s22, s5;
	[bflag:$0x0] =	sbarrier.arrive $0xFFFF;
	(pc) =	sbr.rel @!p1 .LBB2_9-.Ltmp1, $4  }
0x24: {  	[hbm:s22], [sflag:s10] =	dma.local [spmem:s14], $0x2800  }
0x25: {  	_ =	swait.ge [sflag:s15], $0x2800  }
0x26: {  	[sflag:s15] =	ssyncset.done $0x0  }
0x27: {  	[sflag:s15] =	ssyncadd.s32 $0xFFFFD800  }
.LBB2_1:
0x28: {  	[spmem:s14], [sflag:s10] =	dma.local [hbm:s9], $0x2800  }
.Ltmp2:
0x29: {  	_ =	swait.ge [sflag:s15], $0x2800;
	(pc) =	sbr.rel @p0 .LBB2_5-.Ltmp2, $4  }
0x2a: {  	[sflag:s15] =	ssyncset.done $0x0  }
0x2b: {  	[sflag:s15] =	ssyncadd.s32 $0xFFFFD800  }
0x2c: {  	[bflag:$0x0] =	sbarrier.arrive $0xFFFF  }
0x2d: {  	s22 =	sadd.s32 $0x0, s13  }
0x2e: {  	[tilespmem:s16], [sflag:$0x2] =	stream.linear.gather [hbm4b:s22+s3], $0x80, $0x38;
	[tilespmem:$0x18100] =	vst v63  }
0x2f: {  	_ =	swait.ge [sflag:s15], $0x80  }
0x30: {  	[sflag:s15] =	ssyncset.done $0x0  }
0x31: {  	s31 =	sadd.s32 $0x0, s12;
	[sflag:s15] =	ssyncadd.s32 $0xFFFFFF80  }
0x32: {  	[tilespmem:s17], [sflag:$0x2] =	stream.linear.gather [hbm4b:s31+s3], $0x80, $0x38;
	[tilespmem:$0x18100] =	vst v63  }
0x33: {  	_ =	swait.ge [sflag:s15], $0x80  }
0x34: {  	[sflag:s15] =	ssyncset.done $0x0  }
0x35: {  	[sflag:s15] =	ssyncadd.s32 $0xFFFFFF80  }
0x36: {  	[tilespmem:s19], [sflag:$0x1] =	stream.indirect.gather [hbm4b:s4+s18], $0x80, s16, s18, $0xb8;
	[tilespmem:$0x18100] =	vst v63  }
0x37: {  	_ =	swait.ge [sflag:s20], $0x4000  }
0x38: {  	[sflag:s20] =	ssyncset.done $0x0  }
0x39: {  	[sflag:s20] =	ssyncadd.s32 $0xFFFFC000  }
0x3a: {  	[spmem:s2] =	stream.indirect.scatter.add.f32 [tilespmem:s19], [sflag:$0x2], $0x80, s17, s18, $0xb8;
	[tilespmem:$0x18100] =	vst v63  }
0x3b: {  	_ =	swait.ge [sflag:s15], $0x4000  }
0x3c: {  	s22 =	simm.s32 $0x10;
	s23 =	simm.s32 $0x20;
	[sflag:s15] =	ssyncset.done $0x0  }
.LBB2_3:
0x3d: {  	s24 =	sadd.s32 s22, s13  }
0x3e: {  	[sflag:s15] =	ssyncadd.s32 $0xFFFFC000;
	s25 =	smov.u32 s23;
	s26 =	sadd.s32 $0x10, s23  }
0x3f: {  	[tilespmem:s16], [sflag:$0x2] =	stream.linear.gather [hbm4b:s24+s3], $0x80, $0x38;
	[tilespmem:$0x18100] =	vst v63  }
0x40: {  	p1 =	seq.s32 s23, $0x9D0;
	_ =	swait.ge [sflag:s15], $0x80  }
0x41: {  	[sflag:s15] =	ssyncset.done $0x0  }
0x42: {  	s23 =	sadd.s32 s22, s12;
	s22 =	smov.u32 s25;
	[sflag:s15] =	ssyncadd.s32 $0xFFFFFF80  }
0x43: {  	[tilespmem:s17], [sflag:$0x2] =	stream.linear.gather [hbm4b:s23+s3], $0x80, $0x38;
	[tilespmem:$0x18100] =	vst v63  }
0x44: {  	_ =	swait.ge [sflag:s15], $0x80  }
0x45: {  	[sflag:s15] =	ssyncset.done $0x0  }
0x46: {  	[sflag:s15] =	ssyncadd.s32 $0xFFFFFF80  }
0x47: {  	[tilespmem:s19], [sflag:$0x1] =	stream.indirect.gather [hbm4b:s4+s18], $0x80, s16, s18, $0xb8;
	[tilespmem:$0x18100] =	vst v63  }
0x48: {  	_ =	swait.ge [sflag:s20], $0x4000  }
.Ltmp3:
0x49: {  	[sflag:s20] =	ssyncset.done $0x0;
	(pc) =	sbr.rel @!p1 .LBB2_3-.Ltmp3, $4  }
0x4a: {  	[sflag:s20] =	ssyncadd.s32 $0xFFFFC000  }
0x4b: {  	[spmem:s2] =	stream.indirect.scatter.add.f32 [tilespmem:s19], [sflag:$0x2], $0x80, s17, s18, $0xb8;
	[tilespmem:$0x18100] =	vst v63  }
0x4c: {  	_ =	swait.ge [sflag:s15], $0x4000  }
0x4d: {  	s23 =	smov.u32 s26;
	[sflag:s15] =	ssyncset.done $0x0  }
0x4e: {  	s23 =	sadd.s32 s22, s13;
	[sflag:s15] =	ssyncadd.s32 $0xFFFFC000  }
0x4f: {  	[tilespmem:s16], [sflag:$0x2] =	stream.linear.gather [hbm4b:s23+s3], $0x80, $0x38;
	[tilespmem:$0x18100] =	vst v63  }
0x50: {  	_ =	swait.ge [sflag:s15], $0x80  }
0x51: {  	[sflag:s15] =	ssyncset.done $0x0  }
0x52: {  	s31 =	sadd.s32 s22, s12;
	[sflag:s15] =	ssyncadd.s32 $0xFFFFFF80  }
0x53: {  	[tilespmem:s17], [sflag:$0x2] =	stream.linear.gather [hbm4b:s31+s3], $0x80, $0x38;
	[tilespmem:$0x18100] =	vst v63  }
0x54: {  	_ =	swait.ge [sflag:s15], $0x80  }
0x55: {  	[sflag:s15] =	ssyncset.done $0x0  }
0x56: {  	[sflag:s15] =	ssyncadd.s32 $0xFFFFFF80  }
0x57: {  	[tilespmem:s19], [sflag:$0x1] =	stream.indirect.gather [hbm4b:s4+s18], $0x80, s16, s18, $0xb8;
	[tilespmem:$0x18100] =	vst v63  }
0x58: {  	_ =	swait.ge [sflag:s20], $0x4000  }
0x59: {  	[sflag:s20] =	ssyncset.done $0x0  }
.Ltmp4:
0x5a: {  	[sflag:s20] =	ssyncadd.s32 $0xFFFFC000;
	(pc) =	sbr.rel .LBB2_8-.Ltmp4, $4  }
0x5b: {  	[spmem:s2] =	stream.indirect.scatter.add.f32 [tilespmem:s19], [sflag:$0x2], $0x80, s17, s18, $0xb8;
	[tilespmem:$0x18100] =	vst v63  }
0x5c: {  	_ =	swait.ge [sflag:s15], $0x4000  }
0x5d: {  	[sflag:s15] =	ssyncset.done $0x0  }
0x5e: {  	s22 =	smov.u32 s7;
	[sflag:s15] =	ssyncadd.s32 $0xFFFFC000  }
.LBB2_5:
0x5f: {  	[tilespmem:s16], [sflag:$0x2] =	stream.linear.gather [hbm4b:s22+s3], $0x80, $0x38;
	[tilespmem:$0x18100] =	vst v63  }
0x60: {  	_ =	swait.ge [sflag:s15], $0x80  }
0x61: {  	[sflag:s15] =	ssyncset.done $0x0  }
0x62: {  	s31 =	sadd.s32 $0x0, s12;
	[sflag:s15] =	ssyncadd.s32 $0xFFFFFF80  }
0x63: {  	[tilespmem:s17], [sflag:$0x2] =	stream.linear.gather [hbm4b:s31+s3], $0x80, $0x38;
	[tilespmem:$0x18100] =	vst v63  }
0x64: {  	_ =	swait.ge [sflag:s15], $0x80  }
0x65: {  	[sflag:s15] =	ssyncset.done $0x0  }
0x66: {  	[sflag:s15] =	ssyncadd.s32 $0xFFFFFF80  }
0x67: {  	[tilespmem:s19], [sflag:$0x1] =	stream.indirect.gather [hbm4b:s6+s18], $0x80, s16, s18, $0xb8;
	[tilespmem:$0x18100] =	vst v63  }
0x68: {  	_ =	swait.ge [sflag:s20], $0x4000  }
0x69: {  	[sflag:s20] =	ssyncset.done $0x0  }
0x6a: {  	[sflag:s20] =	ssyncadd.s32 $0xFFFFC000  }
0x6b: {  	[spmem:s2] =	stream.indirect.scatter.add.f32 [tilespmem:s19], [sflag:$0x2], $0x80, s17, s18, $0xb8;
	[tilespmem:$0x18100] =	vst v63  }
0x6c: {  	_ =	swait.ge [sflag:s15], $0x4000  }
0x6d: {  	s22 =	simm.s32 $0x10;
	s23 =	simm.s32 $0x20;
	[sflag:s15] =	ssyncset.done $0x0  }
.LBB2_6:
0x6e: {  	s24 =	sadd.s32 s22, s13  }
0x6f: {  	[sflag:s15] =	ssyncadd.s32 $0xFFFFC000;
	s25 =	smov.u32 s23;
	s26 =	sadd.s32 $0x10, s23  }
0x70: {  	[tilespmem:s16], [sflag:$0x2] =	stream.linear.gather [hbm4b:s24+s3], $0x80, $0x38;
	[tilespmem:$0x18100] =	vst v63  }
0x71: {  	p1 =	sne.s32 s23, $0x9D0;
	_ =	swait.ge [sflag:s15], $0x80  }
0x72: {  	[sflag:s15] =	ssyncset.done $0x0  }
0x73: {  	s23 =	sadd.s32 s22, s12;
	s22 =	smov.u32 s25;
	[sflag:s15] =	ssyncadd.s32 $0xFFFFFF80  }
0x74: {  	[tilespmem:s17], [sflag:$0x2] =	stream.linear.gather [hbm4b:s23+s3], $0x80, $0x38;
	[tilespmem:$0x18100] =	vst v63  }
0x75: {  	_ =	swait.ge [sflag:s15], $0x80  }
0x76: {  	[sflag:s15] =	ssyncset.done $0x0  }
0x77: {  	[sflag:s15] =	ssyncadd.s32 $0xFFFFFF80  }
0x78: {  	[tilespmem:s19], [sflag:$0x1] =	stream.indirect.gather [hbm4b:s6+s18], $0x80, s16, s18, $0xb8;
	[tilespmem:$0x18100] =	vst v63  }
0x79: {  	_ =	swait.ge [sflag:s20], $0x4000  }
.Ltmp5:
0x7a: {  	[sflag:s20] =	ssyncset.done $0x0;
	(pc) =	sbr.rel @p1 .LBB2_6-.Ltmp5, $4  }
0x7b: {  	[sflag:s20] =	ssyncadd.s32 $0xFFFFC000  }
0x7c: {  	[spmem:s2] =	stream.indirect.scatter.add.f32 [tilespmem:s19], [sflag:$0x2], $0x80, s17, s18, $0xb8;
	[tilespmem:$0x18100] =	vst v63  }
0x7d: {  	_ =	swait.ge [sflag:s15], $0x4000  }
0x7e: {  	s23 =	smov.u32 s26;
	[sflag:s15] =	ssyncset.done $0x0  }
.Ltmp6:
0x7f: {  	_ = 	snop;
	(pc) =	sbr.rel .LBB2_7-.Ltmp6, $1  }
0x80: {  	_ =	sdelay $0x3  }
.LBB2_9:
0x81: {  	_ =	sfence.sel $0x180000  }
0x82: {  	[bflag:$0x0] =	sbarrier.arrive $0xFFFF  }
0x83: {  	p0 =	sne.s32 s1, $0x0;
	_ =	strace $0x9000004D  }
0x84: {  	s0 =	sadd.s32 @!p0 $0x100000, s0;
	[bflag:$0x2] =	sbarrier.arrive $0xFFFF  }
0x85: {  	[sflag:s0] =	ssyncadd.tile.s32 @!p0 $0x1;
	_ =	shalt  }
.Lfunc_end2:
_tile_overlayer_lowered:
.L_overlay_start_2:
0x86: {  	(tag) =	ssettag $0x2  }
0x87: {  	s0 =	rddreg [dreg:$0x0];
	s2 =	stileid.u32  }
0x88: {  	s1 =	rddreg [dreg:$0x1];
	p0 =	sne.s32 s2, $0x0  }
0x89: {  	s3 =	rddreg [dreg:$0x2];
	[bflag:$0x3] =	sbarrier.arrive $0xFFFF;
	s2 =	simm.s32 @!p0 $0x1C02  }
0x8a: {  	[timem:s3], [sflag:s2] =	dma.local @!p0 [hbm:s0], s1  }
0x8b: {  	s0 =	simm.s32 @!p0 $0x2  }
0x8c: {  	_ =	swait.ge @!p0 [sflag:s0], s1  }
0x8d: {  	s1 =	ssub.s32 @!p0 $0x0, s1;
	[sflag:s0] =	ssyncset.done @!p0 $0x0  }
0x8e: {  	[sflag:s0] =	ssyncadd.s32 @!p0 s1  }
0x8f: {  	[bflag:$0x3] =	sbarrier.arrive $0xFFFF  }
0x90: {  	_ =	shalt  }

// kernel: kernel.18.cloned.1.call-start
scs
__scs_entry_jumppad:
0x0: {  	(pc) =	sbr.rel $0x88, $3  }
0x1: {  	(tag) =	ssettag $0x0;
	lr =	simm.s32 $0x1  }
0x2: {  	[smem:$0x3F92] =	sst lr;
	_ =	strace $0xD0000000  }
0x3: {  	_ = 	snop  }
0x4: {  	_ = 	snop  }
0x5: {  	_ = 	snop  }
0x6: {  	_ = 	snop  }
0x7: {  	_ = 	snop  }
__scs_overlays_trampoline_lowered:
0x8: {  	[smem:$0x3FA1] =	sst s0  }
0x9: {  	[smem:$0x3FA2] =	sst s1  }
0xa: {  	[smem:$0x3FA3] =	sst s2  }
0xb: {  	[smem:$0x3FA4] =	sst s3  }
0xc: {  	[smem:$0x3FA5] =	sst s4  }
0xd: {  	[smem:$0x3FA6] =	sst s5  }
0xe: {  	[smem:$0x3FA7] =	sst s6  }
0xf: {  	[smem:$0x3FA8] =	sst s7  }
0x10: {  	[smem:$0x3FA9] =	sst s8  }
0x11: {  	[smem:$0x3FAA] =	sst s9;
	s0 =	simm.s32 @!p0 $0x0  }
0x12: {  	s1 =	sld [smem:$0x3F90];
	s0 =	simm.s32 @p0 $0x1  }
0x13: {  	[smem:$0x3FAB] =	sst s0;
	s0 =	simm.s32 @!p1 $0x0  }
0x14: {  	s2 =	sld [smem:$0x3F8F];
	s0 =	simm.s32 @p1 $0x1  }
0x15: {  	[smem:$0x3FAC] =	sst s0;
	s0 =	simm.s32 @!p2 $0x0  }
0x16: {  	s3 =	sld [smem:$0x3FDB];
	s0 =	simm.s32 @p2 $0x1  }
0x17: {  	s4 =	simm.s32 $0x1BF5;
	[smem:$0x3FAE] =	sst s0  }
0x18: {  	s0 =	sld [smem:$0x3F91];
	_ =	swait.ge [sflag:s4], $0x0  }
0x19: {  	s7 =	sld [smem:$0x3F92]  }
0x1a: {  	s8 =	sadd.s32 $0xFFFFE003, lr  }
0x1b: {  	s9 =	sadd.s32 $0xFFFFFEF7, lr;
	s5 =	simm.s32 $0xFFFFFFFF;
	p2 =	slt.u32 s8, $0xFFFFF086  }
0x1c: {  	p1 =	slt.u32 s9, $0xF7A;
	s5 =	simm.s32 @!p2 $0x0  }
0x1d: {  	s5 =	simm.s32 @p1 $0x1;
	p0 =	seq.s32 s7, s2  }
0x1e: {  	s7 =	smul.u32 @!p0 $0xF7A, s2;
	p2 =	seq.s32 @!p0 s5, $0x0  }
0x1f: {  	s9 =	smul.u32 $0xF7A, s1;
	s8 =	simm.s32 @!p0 $0x1BF5;
	p2 =	por !p2, p0  }
0x20: {  	[sflag:s8] =	ssyncset.s32 @!p0 $0xFFFFF086;
	s6 =	sadd.s32 @!p0 s3, s7;
	s7 =	simm.s32 @!p0 $0x108  }
0x21: {  	s3 =	sadd.s32 s3, s9;
	s6 =	sadd.s32 @!p0 $0x88, s6;
	s7 =	simm.s32 @p2 $0x1082  }
0x22: {  	[simem:s7], [sflag:s8] =	dma.local @!p0 [hbm:s6], $0xF7A  }
0x23: {  	s9 =	sor.u32 $0xD0000000, s2;
	s6 =	simm.s32 $0x108;
	_ =	swait.ge @!p0 [sflag:s8], $0x0  }
0x24: {  	s3 =	sadd.s32 $0x88, s3;
	s6 =	simm.s32 @!p1 $0x1082;
	[sflag:s4] =	ssyncset.s32 $0xFFFFF086  }
0x25: {  	[simem:s6], [sflag:s4] =	dma.local [hbm:s3], $0xF7A  }
0x26: {  	[smem:$0x3F92] =	sst s1;
	(tag) =	ssettag s2;
	_ =	strace s9  }
0x27: {  	s1 =	sld [smem:$0x3FA2]  }
0x28: {  	s2 =	sld [smem:$0x3FA3]  }
0x29: {  	s4 =	sld [smem:$0x3FA5]  }
0x2a: {  	p0 =	seq.s32 s5, $0x0;
	s5 =	sld [smem:$0x3FA6]  }
0x2b: {  	s6 =	sld [smem:$0x3FA7]  }
0x2c: {  	s7 =	sld [smem:$0x3FA8]  }
0x2d: {  	s3 =	simm.s32 $0x108;
	s8 =	sld [smem:$0x3FA9]  }
0x2e: {  	s3 =	simm.s32 @!p0 $0x1082;
	s9 =	sld [smem:$0x3FAA]  }
0x2f: {  	lr =	sadd.s32 s0, s3;
	s0 =	sld [smem:$0x3FA1]  }
0x30: {  	s3 =	sld [smem:$0x3FA4]  }
0x31: {  	[smem:$0x3FAD] =	sst s10  }
0x32: {  	s10 =	sld [smem:$0x3FAB];
	_ =	sdelay $0x3  }
0x33: {  	p0 =	seq.s32 s10, $0x1;
	s10 =	sld [smem:$0x3FAD];
	_ =	sdelay $0x3  }
0x34: {  	[smem:$0x3FAD] =	sst s10  }
0x35: {  	s10 =	sld [smem:$0x3FAC];
	_ =	sdelay $0x3  }
0x36: {  	p1 =	seq.s32 s10, $0x1;
	s10 =	sld [smem:$0x3FAD];
	_ =	sdelay $0x3  }
0x37: {  	[smem:$0x3FAD] =	sst s10  }
0x38: {  	s10 =	sld [smem:$0x3FAE]  }
0x39: {  	_ = 	snop;
	(pc) =	sbr.ind lr, $3  }
0x3a: {  	_ = 	snop  }
0x3b: {  	_ = 	snop  }
0x3c: {  	p2 =	seq.s32 s10, $0x1;
	s10 =	sld [smem:$0x3FAD]  }
0x3d: {  	_ =	shalt  }
0x3e: {  	_ =	shalt  }
0x3f: {  	_ =	shalt  }
0x40: {  	_ =	shalt  }
0x41: {  	_ =	shalt  }
0x42: {  	_ =	shalt  }
0x43: {  	_ =	shalt  }
0x44: {  	_ =	shalt  }
0x45: {  	_ =	shalt  }
0x46: {  	_ =	shalt  }
0x47: {  	_ =	shalt  }
0x48: {  	_ =	shalt  }
0x49: {  	_ =	shalt  }
0x4a: {  	_ =	shalt  }
0x4b: {  	_ =	shalt  }
0x4c: {  	_ =	shalt  }
0x4d: {  	_ =	shalt  }
0x4e: {  	_ =	shalt  }
0x4f: {  	_ =	shalt  }
0x50: {  	_ =	shalt  }
0x51: {  	_ =	shalt  }
0x52: {  	_ =	shalt  }
0x53: {  	_ =	shalt  }
0x54: {  	_ =	shalt  }
0x55: {  	_ =	shalt  }
0x56: {  	_ =	shalt  }
0x57: {  	_ =	shalt  }
0x58: {  	_ =	shalt  }
0x59: {  	_ =	shalt  }
0x5a: {  	_ =	shalt  }
0x5b: {  	_ =	shalt  }
0x5c: {  	_ =	shalt  }
0x5d: {  	_ =	shalt  }
0x5e: {  	_ =	shalt  }
0x5f: {  	_ =	shalt  }
0x60: {  	_ =	shalt  }
0x61: {  	_ =	shalt  }
0x62: {  	_ =	shalt  }
0x63: {  	_ =	shalt  }
0x64: {  	_ =	shalt  }
0x65: {  	_ =	shalt  }
0x66: {  	_ =	shalt  }
0x67: {  	_ =	shalt  }
0x68: {  	_ =	shalt  }
0x69: {  	_ =	shalt  }
0x6a: {  	_ =	shalt  }
0x6b: {  	_ =	shalt  }
0x6c: {  	_ =	shalt  }
0x6d: {  	_ =	shalt  }
0x6e: {  	_ =	shalt  }
0x6f: {  	_ =	shalt  }
0x70: {  	_ =	shalt  }
0x71: {  	_ =	shalt  }
0x72: {  	_ =	shalt  }
0x73: {  	_ =	shalt  }
0x74: {  	_ =	shalt  }
0x75: {  	_ =	shalt  }
0x76: {  	_ =	shalt  }
0x77: {  	_ =	shalt  }
0x78: {  	_ =	shalt  }
0x79: {  	_ =	shalt  }
0x7a: {  	_ =	shalt  }
0x7b: {  	_ =	shalt  }
0x7c: {  	_ =	shalt  }
0x7d: {  	_ =	shalt  }
0x7e: {  	_ =	shalt  }
0x7f: {  	_ =	shalt  }
0x80: {  	_ =	shalt  }
0x81: {  	_ =	shalt  }
0x82: {  	_ =	shalt  }
0x83: {  	_ =	shalt  }
0x84: {  	_ =	shalt  }
0x85: {  	_ =	shalt  }
0x86: {  	_ =	shalt  }
0x87: {  	_ =	shalt  }
.Lfunc_end0:
.L_simem_size_0:
called_computation.3_lowered:
.L_overlay_start_0:
0x88: {  	s2 =	sld [smem:$0x3FD9]  }
0x89: {  	s3 =	sld [smem:$0x3FFE];
	_ =	sdelay $0x1  }
0x8a: {  	s1 =	srdreg.scid  }
0x8b: {  	s0 =	sand.u32 $0x1, s1  }
0x8c: {  	s16 =	sshll.u32 s0, $0xA;
	s2 =	sadd.s32 s3, s2  }
0x8d: {  	s2 =	sadd.s32 s2, s16  }
0x8e: {  	[smem:$0x3FB9] =	sst s2  }
0x8f: {  	_ = 	snop  }
0x90: {  	(tm) =	ssettm $0x1  }
0x91: {  	s17 =	sld [smem:$0x3FFB];
	_ =	sdelay $0x3  }
0x92: {  	_ =	strace s17  }
0x93: {  	s2 =	sld [smem:$0x3FFC];
	_ =	sdelay $0x3  }
0x94: {  	_ =	strace s2  }
0x95: {  	s2 =	sld [smem:$0x3FFD];
	_ =	sdelay $0x3  }
0x96: {  	_ =	strace s2  }
0x97: {  	_ =	strace $0x8FFFFFFF  }
0x98: {  	s18 =	sld [smem:$0x3FDB];
	_ =	sdelay $0x1  }
0x99: {  	s19 =	simm.s32 $_scs_section_size  }
0x9a: {  	s4 =	simm.s32 $_size__tile_overlayer_lowered;
	s5 =	simm.s32 $_tile_overlayer_lowered  }
0x9b: {  	s22 =	simm.s32 $0x1BFF;
	s21 =	sshll.u32 s5, $0x1;
	s2 =	sadd.s32 s19, s18  }
0x9c: {  	s6 =	simm.s32 $0x0;
	s20 =	sshll.u32 s4, $0x1;
	s4 =	sadd.s32 s21, s2  }
0x9d: {  	[timem:s6], [sflag:s22] =	dma.local [hbm:s4], s20  }
0x9e: {  	_ =	swait.ge [sflag:s22], s20  }
0x9f: {  	s3 =	ssub.s32 $0x0, s20;
	[sflag:s22] =	ssyncset.done $0x0  }
0xa0: {  	[sflag:s22] =	ssyncadd.s32 s3;
	_ =	sdelay $0x1  }
0xa1: {  	s23 =	simm.s32 $0x1B8B  }
0xa2: {  	_ =	swait.ge [sflag:s23], $0x1  }
0xa3: {  	[sflag:s23] =	ssyncset.done $0x0  }
0xa4: {  	s25 =	simm.s32 $0x1B8E;
	s24 =	sld [smem:$0x3FFE];
	[sflag:s23] =	ssyncadd.s32 $0xFFFFFFFF  }
0xa5: {  	s26 =	simm.s32 $execute0_lowered;
	[smem:$0x3FD2] =	sst s25  }
0xa6: {  	s4 =	sshll.u32 s26, $0x1;
	_ =	strace $0x8000004F;
	[dreg:$0x1] =	wrdreg $0xFFFFFFFF  }
0xa7: {  	s28 =	simm.s32 $_size_execute0_lowered;
	s2 =	sadd.s32 s2, s4;
	[dreg:$0x0] =	wrdreg $0x0  }
0xa8: {  	s4 =	sshll.u32 s28, $0x1;
	[dreg:$0x2] =	wrdreg s2  }
0xa9: {  	[dreg:$0x3] =	wrdreg s4  }
0xaa: {  	[dreg:$0x4] =	wrdreg $0xC0  }
0xab: {  	_ =	task [dreg:s6], $0x5FFFF  }
0xac: {  	[dreg:$0x1] =	wrdreg $0xFFFFFFFF  }
0xad: {  	[dreg:$0x0] =	wrdreg $0x60  }
0xae: {  	[dreg:$0x2] =	wrdreg s24  }
0xaf: {  	[dreg:$0x3] =	wrdreg $0x0  }
0xb0: {  	[dreg:$0x4] =	wrdreg $0x9  }
0xb1: {  	_ =	task.clear_ibuf [dreg:s6], $0x5FFFF;
	_ =	strace $0x9000004F  }
0xb2: {  	s29 =	simm.s32 $0x9;
	_ =	strace $0x80000051  }
0xb3: {  	_ =	swait.ge [sflag:s29], $0x1  }
0xb4: {  	[sflag:s29] =	ssyncadd.s32 $0xFFFFFFFF  }
0xb5: {  	_ =	strace $0x90000051  }
0xb6: {  	_ =	sfence  }
0xb7: {  	s30 =	sld [smem:$0x0];
	_ =	sdelay $0x2  }
0xb8: {  	s31 =	sshll.u32 s1, $0xD;
	s1 =	sshrl.u32 s1, $0x2  }
0xb9: {  	s3 =	sand.u32 $0x4000, s31;
	s1 =	sadd.s32 s1, s30  }
0xba: {  	s0 =	sor.u32 s3, s0;
	s1 =	sshll.u32 s1, $0x11  }
0xbb: {  	s0 =	sor.u32 s1, s0  }
0xbc: {  	s0 =	sadd.s32 $0x8F2B, s0  }
0xbd: {  	[sflag:s0] =	ssyncadd.remote.s32 $0x1  }
0xbe: {  	_ =	sfence.sel $0xFFFF  }
0xbf: {  	[dreg:$0x0] =	wrdreg $0xFFFFFFFF;
	(pc) =	sbr.abs _section_cstart, $3  }
0xc0: {  	[dreg:$0x1] =	wrdreg $0xFFFFFFFF  }
0xc1: {  	_ =	task.clear_ibuf [dreg:s6], $0x2FFFF;
	_ =	strace $0x9FFFFFFF  }
0xc2: {  	(tm) =	ssettm $0x7FFFFFFF  }
0xc3: {  	_ =	shalt  }
tec
execute0_lowered:
.L_overlay_start_1:
0x0: {  	(tag) =	ssettag $0x1  }
0x1: {  	s8 =	rddreg [dreg:$0x0]  }
0x2: {  	s2 =	rddreg [dreg:$0x1]  }
0x3: {  	s0 =	rddreg [dreg:$0x2]  }
0x4: {  	s3 =	simm.s32 $0x0;
	s1 =	stileid.u32;
	s9 =	srdreg.scid  }
0x5: {  	s16 =	simm.s32 $0x14000;
	s17 =	simm.s32 $0x14080;
	s18 =	simm.s32 $0x80  }
0x6: {  	s19 =	simm.s32 $0x14100;
	s20 =	simm.s32 $0x1;
	s21 =	simm.s32 $0x0  }
0x7: {  	[smem:$0x7FF] =	sst s3;
	s7 =	smul.u32 $0x9E0, s1;
	s4 =	sadd.s32 $0x5E400, s8  }
0x8: {  	s5 =	smul.u32 $0x2800, s1;
	s6 =	sadd.s32 $0x91000, s8;
	s14 =	sand.u32 $0x1, s9  }
0x9: {  	s11 =	smul.u32 $0x50000, s1;
	s31 =	sshll.u32 s1, $0x6;
	_ =	strace $0x80000050  }
0xa: {  	s10 =	ssub.s32 $0x2, s14;
	p0 =	sne.s32 s14, $0x0;
	s13 =	sadd.s32 s7, s8  }
.Ltmp0:
0xb: {  	s29 =	sadd.s32 s5, s8;
	s7 =	sadd.s32 $0xB8200, s8;
	(pc) =	sbr.rel .LBB2_1-.Ltmp0, $4  }
0xc: {  	s8 =	sadd.s32 $0xE0200, s8;
	s12 =	sshrl.u32 s10, $0x1;
	s30 =	sshrl.u32 s11, $0x2  }
0xd: {  	s12 =	ssub.s32 s10, s12;
	s15 =	sadd.s32 s30, s2;
	s9 =	sadd.s32 $0xF200, s29  }
0xe: {  	s10 =	sor.u32 $0x1C02, s31;
	s11 =	smax.u32 s12, $0x1;
	s12 =	sadd.s32 $0x5400, s13  }
0xf: {  	s13 =	sadd.s32 $0x87200, s13;
	s14 =	sshrl.u32 s15, $0x3;
	s15 =	simm.s32 $0x2  }
.LBB2_7:
0x10: {  	s23 =	sadd.s32 s22, s13;
	[sflag:s15] =	ssyncadd.s32 $0xFFFFC000  }
0x11: {  	[tilespmem:s16], [sflag:$0x2] =	stream.linear.gather [hbm4b:s23+s3], $0x80, $0x38;
	[tilespmem:$0x18100] =	vst v63  }
0x12: {  	_ =	swait.ge [sflag:s15], $0x80  }
0x13: {  	[sflag:s15] =	ssyncset.done $0x0  }
0x14: {  	s31 =	sadd.s32 s22, s12;
	[sflag:s15] =	ssyncadd.s32 $0xFFFFFF80  }
0x15: {  	[tilespmem:s17], [sflag:$0x2] =	stream.linear.gather [hbm4b:s31+s3], $0x80, $0x38;
	[tilespmem:$0x18100] =	vst v63  }
0x16: {  	_ =	swait.ge [sflag:s15], $0x80  }
0x17: {  	[sflag:s15] =	ssyncset.done $0x0  }
0x18: {  	[sflag:s15] =	ssyncadd.s32 $0xFFFFFF80  }
0x19: {  	[tilespmem:s19], [sflag:$0x1] =	stream.indirect.gather [hbm4b:s6+s18], $0x80, s16, s18, $0xb8;
	[tilespmem:$0x18100] =	vst v63  }
0x1a: {  	_ =	swait.ge [sflag:s20], $0x4000  }
0x1b: {  	[sflag:s20] =	ssyncset.done $0x0  }
0x1c: {  	[sflag:s20] =	ssyncadd.s32 $0xFFFFC000  }
0x1d: {  	[spmem:s2] =	stream.indirect.scatter.add.f32 [tilespmem:s19], [sflag:$0x2], $0x80, s17, s18, $0xb8;
	[tilespmem:$0x18100] =	vst v63  }
0x1e: {  	_ =	swait.ge [sflag:s15], $0x4000  }
0x1f: {  	[sflag:s15] =	ssyncset.done $0x0  }
0x20: {  	s22 =	smov.u32 s8;
	[sflag:s15] =	ssyncadd.s32 $0xFFFFC000  }
.LBB2_8:
0x21: {  	s21 =	sadd.s32 $0x1, s21  }
0x22: {  	p1 =	sne.s32 s21, s11  }
.Ltmp1:
0x23: {  	s22 =	sadd.s32 s22, s5;
	[bflag:$0x0] =	sbarrier.arrive $0xFFFF;
	(pc) =	sbr.rel @!p1 .LBB2_9-.Ltmp1, $4  }
0x24: {  	[hbm:s22], [sflag:s10] =	dma.local [spmem:s14], $0x2800  }
0x25: {  	_ =	swait.ge [sflag:s15], $0x2800  }
0x26: {  	[sflag:s15] =	ssyncset.done $0x0  }
0x27: {  	[sflag:s15] =	ssyncadd.s32 $0xFFFFD800  }
.LBB2_1:
0x28: {  	[spmem:s14], [sflag:s10] =	dma.local [hbm:s9], $0x2800  }
.Ltmp2:
0x29: {  	_ =	swait.ge [sflag:s15], $0x2800;
	(pc) =	sbr.rel @p0 .LBB2_5-.Ltmp2, $4  }
0x2a: {  	[sflag:s15] =	ssyncset.done $0x0  }
0x2b: {  	[sflag:s15] =	ssyncadd.s32 $0xFFFFD800  }
0x2c: {  	[bflag:$0x0] =	sbarrier.arrive $0xFFFF  }
0x2d: {  	s22 =	sadd.s32 $0x0, s13  }
0x2e: {  	[tilespmem:s16], [sflag:$0x2] =	stream.linear.gather [hbm4b:s22+s3], $0x80, $0x38;
	[tilespmem:$0x18100] =	vst v63  }
0x2f: {  	_ =	swait.ge [sflag:s15], $0x80  }
0x30: {  	[sflag:s15] =	ssyncset.done $0x0  }
0x31: {  	s31 =	sadd.s32 $0x0, s12;
	[sflag:s15] =	ssyncadd.s32 $0xFFFFFF80  }
0x32: {  	[tilespmem:s17], [sflag:$0x2] =	stream.linear.gather [hbm4b:s31+s3], $0x80, $0x38;
	[tilespmem:$0x18100] =	vst v63  }
0x33: {  	_ =	swait.ge [sflag:s15], $0x80  }
0x34: {  	[sflag:s15] =	ssyncset.done $0x0  }
0x35: {  	[sflag:s15] =	ssyncadd.s32 $0xFFFFFF80  }
0x36: {  	[tilespmem:s19], [sflag:$0x1] =	stream.indirect.gather [hbm4b:s4+s18], $0x80, s16, s18, $0xb8;
	[tilespmem:$0x18100] =	vst v63  }
0x37: {  	_ =	swait.ge [sflag:s20], $0x4000  }
0x38: {  	[sflag:s20] =	ssyncset.done $0x0  }
0x39: {  	[sflag:s20] =	ssyncadd.s32 $0xFFFFC000  }
0x3a: {  	[spmem:s2] =	stream.indirect.scatter.add.f32 [tilespmem:s19], [sflag:$0x2], $0x80, s17, s18, $0xb8;
	[tilespmem:$0x18100] =	vst v63  }
0x3b: {  	_ =	swait.ge [sflag:s15], $0x4000  }
0x3c: {  	s22 =	simm.s32 $0x10;
	s23 =	simm.s32 $0x20;
	[sflag:s15] =	ssyncset.done $0x0  }
.LBB2_3:
0x3d: {  	s24 =	sadd.s32 s22, s13  }
0x3e: {  	[sflag:s15] =	ssyncadd.s32 $0xFFFFC000;
	s25 =	smov.u32 s23;
	s26 =	sadd.s32 $0x10, s23  }
0x3f: {  	[tilespmem:s16], [sflag:$0x2] =	stream.linear.gather [hbm4b:s24+s3], $0x80, $0x38;
	[tilespmem:$0x18100] =	vst v63  }
0x40: {  	p1 =	seq.s32 s23, $0x9D0;
	_ =	swait.ge [sflag:s15], $0x80  }
0x41: {  	[sflag:s15] =	ssyncset.done $0x0  }
0x42: {  	s23 =	sadd.s32 s22, s12;
	s22 =	smov.u32 s25;
	[sflag:s15] =	ssyncadd.s32 $0xFFFFFF80  }
0x43: {  	[tilespmem:s17], [sflag:$0x2] =	stream.linear.gather [hbm4b:s23+s3], $0x80, $0x38;
	[tilespmem:$0x18100] =	vst v63  }
0x44: {  	_ =	swait.ge [sflag:s15], $0x80  }
0x45: {  	[sflag:s15] =	ssyncset.done $0x0  }
0x46: {  	[sflag:s15] =	ssyncadd.s32 $0xFFFFFF80  }
0x47: {  	[tilespmem:s19], [sflag:$0x1] =	stream.indirect.gather [hbm4b:s4+s18], $0x80, s16, s18, $0xb8;
	[tilespmem:$0x18100] =	vst v63  }
0x48: {  	_ =	swait.ge [sflag:s20], $0x4000  }
.Ltmp3:
0x49: {  	[sflag:s20] =	ssyncset.done $0x0;
	(pc) =	sbr.rel @!p1 .LBB2_3-.Ltmp3, $4  }
0x4a: {  	[sflag:s20] =	ssyncadd.s32 $0xFFFFC000  }
0x4b: {  	[spmem:s2] =	stream.indirect.scatter.add.f32 [tilespmem:s19], [sflag:$0x2], $0x80, s17, s18, $0xb8;
	[tilespmem:$0x18100] =	vst v63  }
0x4c: {  	_ =	swait.ge [sflag:s15], $0x4000  }
0x4d: {  	s23 =	smov.u32 s26;
	[sflag:s15] =	ssyncset.done $0x0  }
0x4e: {  	s23 =	sadd.s32 s22, s13;
	[sflag:s15] =	ssyncadd.s32 $0xFFFFC000  }
0x4f: {  	[tilespmem:s16], [sflag:$0x2] =	stream.linear.gather [hbm4b:s23+s3], $0x80, $0x38;
	[tilespmem:$0x18100] =	vst v63  }
0x50: {  	_ =	swait.ge [sflag:s15], $0x80  }
0x51: {  	[sflag:s15] =	ssyncset.done $0x0  }
0x52: {  	s31 =	sadd.s32 s22, s12;
	[sflag:s15] =	ssyncadd.s32 $0xFFFFFF80  }
0x53: {  	[tilespmem:s17], [sflag:$0x2] =	stream.linear.gather [hbm4b:s31+s3], $0x80, $0x38;
	[tilespmem:$0x18100] =	vst v63  }
0x54: {  	_ =	swait.ge [sflag:s15], $0x80  }
0x55: {  	[sflag:s15] =	ssyncset.done $0x0  }
0x56: {  	[sflag:s15] =	ssyncadd.s32 $0xFFFFFF80  }
0x57: {  	[tilespmem:s19], [sflag:$0x1] =	stream.indirect.gather [hbm4b:s4+s18], $0x80, s16, s18, $0xb8;
	[tilespmem:$0x18100] =	vst v63  }
0x58: {  	_ =	swait.ge [sflag:s20], $0x4000  }
0x59: {  	[sflag:s20] =	ssyncset.done $0x0  }
.Ltmp4:
0x5a: {  	[sflag:s20] =	ssyncadd.s32 $0xFFFFC000;
	(pc) =	sbr.rel .LBB2_8-.Ltmp4, $4  }
0x5b: {  	[spmem:s2] =	stream.indirect.scatter.add.f32 [tilespmem:s19], [sflag:$0x2], $0x80, s17, s18, $0xb8;
	[tilespmem:$0x18100] =	vst v63  }
0x5c: {  	_ =	swait.ge [sflag:s15], $0x4000  }
0x5d: {  	[sflag:s15] =	ssyncset.done $0x0  }
0x5e: {  	s22 =	smov.u32 s7;
	[sflag:s15] =	ssyncadd.s32 $0xFFFFC000  }
.LBB2_5:
0x5f: {  	[tilespmem:s16], [sflag:$0x2] =	stream.linear.gather [hbm4b:s22+s3], $0x80, $0x38;
	[tilespmem:$0x18100] =	vst v63  }
0x60: {  	_ =	swait.ge [sflag:s15], $0x80  }
0x61: {  	[sflag:s15] =	ssyncset.done $0x0  }
0x62: {  	s31 =	sadd.s32 $0x0, s12;
	[sflag:s15] =	ssyncadd.s32 $0xFFFFFF80  }
0x63: {  	[tilespmem:s17], [sflag:$0x2] =	stream.linear.gather [hbm4b:s31+s3], $0x80, $0x38;
	[tilespmem:$0x18100] =	vst v63  }
0x64: {  	_ =	swait.ge [sflag:s15], $0x80  }
0x65: {  	[sflag:s15] =	ssyncset.done $0x0  }
0x66: {  	[sflag:s15] =	ssyncadd.s32 $0xFFFFFF80  }
0x67: {  	[tilespmem:s19], [sflag:$0x1] =	stream.indirect.gather [hbm4b:s6+s18], $0x80, s16, s18, $0xb8;
	[tilespmem:$0x18100] =	vst v63  }
0x68: {  	_ =	swait.ge [sflag:s20], $0x4000  }
0x69: {  	[sflag:s20] =	ssyncset.done $0x0  }
0x6a: {  	[sflag:s20] =	ssyncadd.s32 $0xFFFFC000  }
0x6b: {  	[spmem:s2] =	stream.indirect.scatter.add.f32 [tilespmem:s19], [sflag:$0x2], $0x80, s17, s18, $0xb8;
	[tilespmem:$0x18100] =	vst v63  }
0x6c: {  	_ =	swait.ge [sflag:s15], $0x4000  }
0x6d: {  	s22 =	simm.s32 $0x10;
	s23 =	simm.s32 $0x20;
	[sflag:s15] =	ssyncset.done $0x0  }
.LBB2_6:
0x6e: {  	s24 =	sadd.s32 s22, s13  }
0x6f: {  	[sflag:s15] =	ssyncadd.s32 $0xFFFFC000;
	s25 =	smov.u32 s23;
	s26 =	sadd.s32 $0x10, s23  }
0x70: {  	[tilespmem:s16], [sflag:$0x2] =	stream.linear.gather [hbm4b:s24+s3], $0x80, $0x38;
	[tilespmem:$0x18100] =	vst v63  }
0x71: {  	p1 =	sne.s32 s23, $0x9D0;
	_ =	swait.ge [sflag:s15], $0x80  }
0x72: {  	[sflag:s15] =	ssyncset.done $0x0  }
0x73: {  	s23 =	sadd.s32 s22, s12;
	s22 =	smov.u32 s25;
	[sflag:s15] =	ssyncadd.s32 $0xFFFFFF80  }
0x74: {  	[tilespmem:s17], [sflag:$0x2] =	stream.linear.gather [hbm4b:s23+s3], $0x80, $0x38;
	[tilespmem:$0x18100] =	vst v63  }
0x75: {  	_ =	swait.ge [sflag:s15], $0x80  }
0x76: {  	[sflag:s15] =	ssyncset.done $0x0  }
0x77: {  	[sflag:s15] =	ssyncadd.s32 $0xFFFFFF80  }
0x78: {  	[tilespmem:s19], [sflag:$0x1] =	stream.indirect.gather [hbm4b:s6+s18], $0x80, s16, s18, $0xb8;
	[tilespmem:$0x18100] =	vst v63  }
0x79: {  	_ =	swait.ge [sflag:s20], $0x4000  }
.Ltmp5:
0x7a: {  	[sflag:s20] =	ssyncset.done $0x0;
	(pc) =	sbr.rel @p1 .LBB2_6-.Ltmp5, $4  }
0x7b: {  	[sflag:s20] =	ssyncadd.s32 $0xFFFFC000  }
0x7c: {  	[spmem:s2] =	stream.indirect.scatter.add.f32 [tilespmem:s19], [sflag:$0x2], $0x80, s17, s18, $0xb8;
	[tilespmem:$0x18100] =	vst v63  }
0x7d: {  	_ =	swait.ge [sflag:s15], $0x4000  }
0x7e: {  	s23 =	smov.u32 s26;
	[sflag:s15] =	ssyncset.done $0x0  }
.Ltmp6:
0x7f: {  	_ = 	snop;
	(pc) =	sbr.rel .LBB2_7-.Ltmp6, $1  }
0x80: {  	_ =	sdelay $0x3  }
.LBB2_9:
0x81: {  	_ =	sfence.sel $0x180000  }
0x82: {  	[bflag:$0x0] =	sbarrier.arrive $0xFFFF  }
0x83: {  	p0 =	sne.s32 s1, $0x0;
	_ =	strace $0x90000050  }
0x84: {  	s0 =	sadd.s32 @!p0 $0x100000, s0;
	[bflag:$0x2] =	sbarrier.arrive $0xFFFF  }
0x85: {  	[sflag:s0] =	ssyncadd.tile.s32 @!p0 $0x1;
	_ =	shalt  }
.Lfunc_end2:
_tile_overlayer_lowered:
.L_overlay_start_2:
0x86: {  	(tag) =	ssettag $0x2  }
0x87: {  	s0 =	rddreg [dreg:$0x0];
	s2 =	stileid.u32  }
0x88: {  	s1 =	rddreg [dreg:$0x1];
	p0 =	sne.s32 s2, $0x0  }
0x89: {  	s3 =	rddreg [dreg:$0x2];
	[bflag:$0x3] =	sbarrier.arrive $0xFFFF;
	s2 =	simm.s32 @!p0 $0x1C02  }
0x8a: {  	[timem:s3], [sflag:s2] =	dma.local @!p0 [hbm:s0], s1  }
0x8b: {  	s0 =	simm.s32 @!p0 $0x2  }
0x8c: {  	_ =	swait.ge @!p0 [sflag:s0], s1  }
0x8d: {  	s1 =	ssub.s32 @!p0 $0x0, s1;
	[sflag:s0] =	ssyncset.done @!p0 $0x0  }
0x8e: {  	[sflag:s0] =	ssyncadd.s32 @!p0 s1  }
0x8f: {  	[bflag:$0x3] =	sbarrier.arrive $0xFFFF  }
0x90: {  	_ =	shalt  }

// kernel: kernel.9.cloned.1.call-start
scs
__scs_entry_jumppad:
0x0: {  	(pc) =	sbr.rel $0x88, $3  }
0x1: {  	(tag) =	ssettag $0x0;
	lr =	simm.s32 $0x1  }
0x2: {  	[smem:$0x3F92] =	sst lr;
	_ =	strace $0xD0000000  }
0x3: {  	_ = 	snop  }
0x4: {  	_ = 	snop  }
0x5: {  	_ = 	snop  }
0x6: {  	_ = 	snop  }
0x7: {  	_ = 	snop  }
__scs_overlays_trampoline_lowered:
0x8: {  	[smem:$0x3FA1] =	sst s0  }
0x9: {  	[smem:$0x3FA2] =	sst s1  }
0xa: {  	[smem:$0x3FA3] =	sst s2  }
0xb: {  	[smem:$0x3FA4] =	sst s3  }
0xc: {  	[smem:$0x3FA5] =	sst s4  }
0xd: {  	[smem:$0x3FA6] =	sst s5  }
0xe: {  	[smem:$0x3FA7] =	sst s6  }
0xf: {  	[smem:$0x3FA8] =	sst s7  }
0x10: {  	[smem:$0x3FA9] =	sst s8  }
0x11: {  	[smem:$0x3FAA] =	sst s9;
	s0 =	simm.s32 @!p0 $0x0  }
0x12: {  	s1 =	sld [smem:$0x3F90];
	s0 =	simm.s32 @p0 $0x1  }
0x13: {  	[smem:$0x3FAB] =	sst s0;
	s0 =	simm.s32 @!p1 $0x0  }
0x14: {  	s2 =	sld [smem:$0x3F8F];
	s0 =	simm.s32 @p1 $0x1  }
0x15: {  	[smem:$0x3FAC] =	sst s0;
	s0 =	simm.s32 @!p2 $0x0  }
0x16: {  	s3 =	sld [smem:$0x3FDB];
	s0 =	simm.s32 @p2 $0x1  }
0x17: {  	s4 =	simm.s32 $0x1BF5;
	[smem:$0x3FAE] =	sst s0  }
0x18: {  	s0 =	sld [smem:$0x3F91];
	_ =	swait.ge [sflag:s4], $0x0  }
0x19: {  	s7 =	sld [smem:$0x3F92]  }
0x1a: {  	s8 =	sadd.s32 $0xFFFFE003, lr  }
0x1b: {  	s9 =	sadd.s32 $0xFFFFFEF7, lr;
	s5 =	simm.s32 $0xFFFFFFFF;
	p2 =	slt.u32 s8, $0xFFFFF086  }
0x1c: {  	p1 =	slt.u32 s9, $0xF7A;
	s5 =	simm.s32 @!p2 $0x0  }
0x1d: {  	s5 =	simm.s32 @p1 $0x1;
	p0 =	seq.s32 s7, s2  }
0x1e: {  	s7 =	smul.u32 @!p0 $0xF7A, s2;
	p2 =	seq.s32 @!p0 s5, $0x0  }
0x1f: {  	s9 =	smul.u32 $0xF7A, s1;
	s8 =	simm.s32 @!p0 $0x1BF5;
	p2 =	por !p2, p0  }
0x20: {  	[sflag:s8] =	ssyncset.s32 @!p0 $0xFFFFF086;
	s6 =	sadd.s32 @!p0 s3, s7;
	s7 =	simm.s32 @!p0 $0x108  }
0x21: {  	s3 =	sadd.s32 s3, s9;
	s6 =	sadd.s32 @!p0 $0x88, s6;
	s7 =	simm.s32 @p2 $0x1082  }
0x22: {  	[simem:s7], [sflag:s8] =	dma.local @!p0 [hbm:s6], $0xF7A  }
0x23: {  	s9 =	sor.u32 $0xD0000000, s2;
	s6 =	simm.s32 $0x108;
	_ =	swait.ge @!p0 [sflag:s8], $0x0  }
0x24: {  	s3 =	sadd.s32 $0x88, s3;
	s6 =	simm.s32 @!p1 $0x1082;
	[sflag:s4] =	ssyncset.s32 $0xFFFFF086  }
0x25: {  	[simem:s6], [sflag:s4] =	dma.local [hbm:s3], $0xF7A  }
0x26: {  	[smem:$0x3F92] =	sst s1;
	(tag) =	ssettag s2;
	_ =	strace s9  }
0x27: {  	s1 =	sld [smem:$0x3FA2]  }
0x28: {  	s2 =	sld [smem:$0x3FA3]  }
0x29: {  	s4 =	sld [smem:$0x3FA5]  }
0x2a: {  	p0 =	seq.s32 s5, $0x0;
	s5 =	sld [smem:$0x3FA6]  }
0x2b: {  	s6 =	sld [smem:$0x3FA7]  }
0x2c: {  	s7 =	sld [smem:$0x3FA8]  }
0x2d: {  	s3 =	simm.s32 $0x108;
	s8 =	sld [smem:$0x3FA9]  }
0x2e: {  	s3 =	simm.s32 @!p0 $0x1082;
	s9 =	sld [smem:$0x3FAA]  }
0x2f: {  	lr =	sadd.s32 s0, s3;
	s0 =	sld [smem:$0x3FA1]  }
0x30: {  	s3 =	sld [smem:$0x3FA4]  }
0x31: {  	[smem:$0x3FAD] =	sst s10  }
0x32: {  	s10 =	sld [smem:$0x3FAB];
	_ =	sdelay $0x3  }
0x33: {  	p0 =	seq.s32 s10, $0x1;
	s10 =	sld [smem:$0x3FAD];
	_ =	sdelay $0x3  }
0x34: {  	[smem:$0x3FAD] =	sst s10  }
0x35: {  	s10 =	sld [smem:$0x3FAC];
	_ =	sdelay $0x3  }
0x36: {  	p1 =	seq.s32 s10, $0x1;
	s10 =	sld [smem:$0x3FAD];
	_ =	sdelay $0x3  }
0x37: {  	[smem:$0x3FAD] =	sst s10  }
0x38: {  	s10 =	sld [smem:$0x3FAE]  }
0x39: {  	_ = 	snop;
	(pc) =	sbr.ind lr, $3  }
0x3a: {  	_ = 	snop  }
0x3b: {  	_ = 	snop  }
0x3c: {  	p2 =	seq.s32 s10, $0x1;
	s10 =	sld [smem:$0x3FAD]  }
0x3d: {  	_ =	shalt  }
0x3e: {  	_ =	shalt  }
0x3f: {  	_ =	shalt  }
0x40: {  	_ =	shalt  }
0x41: {  	_ =	shalt  }
0x42: {  	_ =	shalt  }
0x43: {  	_ =	shalt  }
0x44: {  	_ =	shalt  }
0x45: {  	_ =	shalt  }
0x46: {  	_ =	shalt  }
0x47: {  	_ =	shalt  }
0x48: {  	_ =	shalt  }
0x49: {  	_ =	shalt  }
0x4a: {  	_ =	shalt  }
0x4b: {  	_ =	shalt  }
0x4c: {  	_ =	shalt  }
0x4d: {  	_ =	shalt  }
0x4e: {  	_ =	shalt  }
0x4f: {  	_ =	shalt  }
0x50: {  	_ =	shalt  }
0x51: {  	_ =	shalt  }
0x52: {  	_ =	shalt  }
0x53: {  	_ =	shalt  }
0x54: {  	_ =	shalt  }
0x55: {  	_ =	shalt  }
0x56: {  	_ =	shalt  }
0x57: {  	_ =	shalt  }
0x58: {  	_ =	shalt  }
0x59: {  	_ =	shalt  }
0x5a: {  	_ =	shalt  }
0x5b: {  	_ =	shalt  }
0x5c: {  	_ =	shalt  }
0x5d: {  	_ =	shalt  }
0x5e: {  	_ =	shalt  }
0x5f: {  	_ =	shalt  }
0x60: {  	_ =	shalt  }
0x61: {  	_ =	shalt  }
0x62: {  	_ =	shalt  }
0x63: {  	_ =	shalt  }
0x64: {  	_ =	shalt  }
0x65: {  	_ =	shalt  }
0x66: {  	_ =	shalt  }
0x67: {  	_ =	shalt  }
0x68: {  	_ =	shalt  }
0x69: {  	_ =	shalt  }
0x6a: {  	_ =	shalt  }
0x6b: {  	_ =	shalt  }
0x6c: {  	_ =	shalt  }
0x6d: {  	_ =	shalt  }
0x6e: {  	_ =	shalt  }
0x6f: {  	_ =	shalt  }
0x70: {  	_ =	shalt  }
0x71: {  	_ =	shalt  }
0x72: {  	_ =	shalt  }
0x73: {  	_ =	shalt  }
0x74: {  	_ =	shalt  }
0x75: {  	_ =	shalt  }
0x76: {  	_ =	shalt  }
0x77: {  	_ =	shalt  }
0x78: {  	_ =	shalt  }
0x79: {  	_ =	shalt  }
0x7a: {  	_ =	shalt  }
0x7b: {  	_ =	shalt  }
0x7c: {  	_ =	shalt  }
0x7d: {  	_ =	shalt  }
0x7e: {  	_ =	shalt  }
0x7f: {  	_ =	shalt  }
0x80: {  	_ =	shalt  }
0x81: {  	_ =	shalt  }
0x82: {  	_ =	shalt  }
0x83: {  	_ =	shalt  }
0x84: {  	_ =	shalt  }
0x85: {  	_ =	shalt  }
0x86: {  	_ =	shalt  }
0x87: {  	_ =	shalt  }
.Lfunc_end0:
.L_simem_size_0:
called_computation_lowered:
.L_overlay_start_0:
0x88: {  	s2 =	sld [smem:$0x3FD9]  }
0x89: {  	s3 =	sld [smem:$0x3FFE];
	_ =	sdelay $0x1  }
0x8a: {  	s1 =	srdreg.scid  }
0x8b: {  	s0 =	sand.u32 $0x1, s1  }
0x8c: {  	s17 =	sshll.u32 s0, $0xA;
	s2 =	sadd.s32 s3, s2  }
0x8d: {  	s2 =	sadd.s32 s2, s17  }
0x8e: {  	[smem:$0x3FB9] =	sst s2  }
0x8f: {  	_ = 	snop  }
0x90: {  	s2 =	sld [smem:$0x3FD0];
	(tm) =	ssettm $0x1  }
0x91: {  	s18 =	sld [smem:$0x3FFB];
	_ =	sdelay $0x3  }
0x92: {  	_ =	strace s18  }
0x93: {  	s3 =	sld [smem:$0x3FFC];
	_ =	sdelay $0x3  }
0x94: {  	_ =	strace s3  }
0x95: {  	s3 =	sld [smem:$0x3FFD];
	_ =	sdelay $0x3  }
0x96: {  	_ =	strace s3  }
0x97: {  	_ =	strace $0x8FFFFFFF  }
0x98: {  	s19 =	sld [smem:$0x3FDB];
	_ =	sdelay $0x1  }
0x99: {  	s4 =	simm.s32 $_scs_section_size  }
0x9a: {  	s5 =	simm.s32 $_size__tile_overlayer_lowered;
	s6 =	simm.s32 $_tile_overlayer_lowered  }
0x9b: {  	s22 =	simm.s32 $0x1BFF;
	s21 =	sshll.u32 s6, $0x1;
	s3 =	sadd.s32 s4, s19  }
0x9c: {  	s7 =	simm.s32 $0x0;
	s20 =	sshll.u32 s5, $0x1;
	s5 =	sadd.s32 s21, s3  }
0x9d: {  	[timem:s7], [sflag:s22] =	dma.local [hbm:s5], s20  }
0x9e: {  	_ =	swait.ge [sflag:s22], s20  }
0x9f: {  	s4 =	ssub.s32 $0x0, s20;
	[sflag:s22] =	ssyncset.done $0x0  }
0xa0: {  	[sflag:s22] =	ssyncadd.s32 s4;
	_ =	sdelay $0x1  }
0xa1: {  	s23 =	simm.s32 $0x1B8B  }
0xa2: {  	_ =	swait.ge [sflag:s23], $0x1  }
0xa3: {  	[sflag:s23] =	ssyncset.done $0x0  }
0xa4: {  	s25 =	simm.s32 $0x1B8E;
	s24 =	sld [smem:$0x3FFE];
	[sflag:s23] =	ssyncadd.s32 $0xFFFFFFFF  }
0xa5: {  	s26 =	simm.s32 $execute0_lowered;
	[smem:$0x3FD2] =	sst s25  }
0xa6: {  	s5 =	sshll.u32 s26, $0x1;
	_ =	strace $0x80000046;
	[dreg:$0x1] =	wrdreg $0xFFFFFFFF  }
0xa7: {  	s28 =	simm.s32 $_size_execute0_lowered;
	s3 =	sadd.s32 s3, s5;
	[dreg:$0x0] =	wrdreg $0x0  }
0xa8: {  	s5 =	sshll.u32 s28, $0x1;
	[dreg:$0x2] =	wrdreg s3  }
0xa9: {  	[dreg:$0x3] =	wrdreg s5  }
0xaa: {  	[dreg:$0x4] =	wrdreg $0xC0  }
0xab: {  	_ =	task [dreg:s7], $0x5FFFF  }
0xac: {  	[dreg:$0x1] =	wrdreg $0xFFFFFFFF  }
0xad: {  	[dreg:$0x0] =	wrdreg $0x60  }
0xae: {  	[dreg:$0x2] =	wrdreg s24  }
0xaf: {  	[dreg:$0x3] =	wrdreg s2  }
0xb0: {  	[dreg:$0x4] =	wrdreg $0x0  }
0xb1: {  	[dreg:$0x5] =	wrdreg $0x9  }
0xb2: {  	_ =	task.clear_ibuf [dreg:s7], $0x6FFFF;
	_ =	strace $0x90000046  }
0xb3: {  	s29 =	simm.s32 $0x9;
	_ =	strace $0x80000048  }
0xb4: {  	_ =	swait.ge [sflag:s29], $0x1  }
0xb5: {  	[sflag:s29] =	ssyncadd.s32 $0xFFFFFFFF  }
0xb6: {  	_ =	strace $0x90000048  }
0xb7: {  	_ =	sfence  }
0xb8: {  	s30 =	sld [smem:$0x0];
	_ =	sdelay $0x2  }
0xb9: {  	s31 =	sshll.u32 s1, $0xD;
	s1 =	sshrl.u32 s1, $0x2  }
0xba: {  	s3 =	sand.u32 $0x4000, s31;
	s1 =	sadd.s32 s1, s30  }
0xbb: {  	s0 =	sor.u32 s3, s0;
	s1 =	sshll.u32 s1, $0x11  }
0xbc: {  	s0 =	sor.u32 s1, s0  }
0xbd: {  	s0 =	sadd.s32 $0x8F2B, s0  }
0xbe: {  	[sflag:s0] =	ssyncadd.remote.s32 $0x1  }
0xbf: {  	_ =	sfence.sel $0xFFFF  }
0xc0: {  	[dreg:$0x0] =	wrdreg $0xFFFFFFFF;
	(pc) =	sbr.abs _section_cstart, $3  }
0xc1: {  	[dreg:$0x1] =	wrdreg $0xFFFFFFFF  }
0xc2: {  	_ =	task.clear_ibuf [dreg:s7], $0x2FFFF;
	_ =	strace $0x9FFFFFFF  }
0xc3: {  	(tm) =	ssettm $0x7FFFFFFF  }
tec
execute0_lowered:
.L_overlay_start_1:
0x0: {  	(tag) =	ssettag $0x1  }
0x1: {  	s5 =	rddreg [dreg:$0x0]  }
0x2: {  	s1 =	rddreg [dreg:$0x1]  }
0x3: {  	s0 =	srdreg.scid;
	s3 =	rddreg [dreg:$0x2]  }
0x4: {  	s2 =	stileid.u32;
	s4 =	simm.s32 $0x0;
	s13 =	simm.s32 $0x5F200  }
0x5: {  	s14 =	simm.s32 $0x80;
	s15 =	simm.s32 $0x0;
	s8 =	smul.u32 $0x2800, s2  }
0x6: {  	s6 =	sand.u32 $0x1, s0;
	s0 =	rddreg [dreg:$0x3];
	s10 =	smul.u32 $0x50000, s2  }
0x7: {  	[smem:$0x7FF] =	sst s4;
	s31 =	smul.u32 $0x4F0, s2;
	s12 =	sshll.u32 s2, $0x6  }
0x8: {  	s7 =	smul.u32 $0x4F00, s6;
	s9 =	ssub.s32 $0x2, s6;
	_ =	strace $0x80000047  }
0x9: {  	p0 =	seq.s32 s6, $0x1;
	s6 =	sor.u32 $0x1C01, s12;
	s12 =	simm.s32 $0x14080  }
0xa: {  	s11 =	sshrl.u32 s9, $0x1;
	s8 =	sadd.s32 s8, s5;
	s30 =	sshrl.u32 s10, $0x2  }
0xb: {  	s13 =	simm.s32 @!p0 $0x37200;
	s7 =	sadd.s32 s7, s5;
	s9 =	ssub.s32 s9, s11  }
0xc: {  	s10 =	sadd.s32 s30, s3;
	s5 =	sadd.s32 $0xF200, s8;
	s8 =	sadd.s32 s13, s8  }
0xd: {  	s13 =	simm.s32 $0x14000;
	s11 =	sadd.s32 s31, s7;
	s7 =	smax.u32 s9, $0x1  }
0xe: {  	s10 =	sshrl.u32 s10, $0x3;
	s9 =	sadd.s32 $0x5400, s11;
	s11 =	simm.s32 $0x1  }
.LBB2_1:
0xf: {  	[spmem:s10], [sflag:s6] =	dma.local [hbm:s5], $0x2800  }
0x10: {  	_ =	swait.ge [sflag:s11], $0x2800  }
0x11: {  	[sflag:s11] =	ssyncset.done $0x0  }
0x12: {  	[sflag:s11] =	ssyncadd.s32 $0xFFFFD800  }
0x13: {  	[tilespmem:s12], [sflag:$0x1] =	stream.linear.gather [hbm4b:s1+s4], $0x4000, $0x38;
	[tilespmem:$0x18080] =	vst v63  }
0x14: {  	_ =	swait.ge [sflag:s11], $0x4000  }
0x15: {  	[sflag:s11] =	ssyncset.done $0x0  }
0x16: {  	[sflag:s11] =	ssyncadd.s32 $0xFFFFC000  }
0x17: {  	s16 =	sadd.s32 $0x0, s9;
	[bflag:$0x0] =	sbarrier.arrive $0xFFFF  }
0x18: {  	[tilespmem:s13], [sflag:$0x1] =	stream.linear.gather [hbm4b:s16+s4], $0x80, $0x38;
	[tilespmem:$0x18080] =	vst v63  }
0x19: {  	_ =	swait.ge [sflag:s11], $0x80  }
0x1a: {  	[sflag:s11] =	ssyncset.done $0x0  }
0x1b: {  	[sflag:s11] =	ssyncadd.s32 $0xFFFFFF80  }
0x1c: {  	[spmem:s3] =	stream.indirect.scatter.add.f32 [tilespmem:s12], [sflag:$0x1], $0x80, s13, s14, $0xb8;
	[tilespmem:$0x18080] =	vst v63  }
0x1d: {  	_ =	swait.ge [sflag:s11], $0x4000  }
0x1e: {  	s17 =	simm.s32 $0x20;
	s16 =	simm.s32 $0x10;
	[sflag:s11] =	ssyncset.done $0x0  }
.LBB2_2:
0x1f: {  	s18 =	sadd.s32 s16, s9  }
0x20: {  	[sflag:s11] =	ssyncadd.s32 $0xFFFFC000;
	s16 =	smov.u32 s17;
	s19 =	sadd.s32 $0x10, s17  }
0x21: {  	[tilespmem:s13], [sflag:$0x1] =	stream.linear.gather [hbm4b:s18+s4], $0x80, $0x38;
	[tilespmem:$0x18080] =	vst v63  }
0x22: {  	p0 =	sne.s32 s17, $0x4E0;
	_ =	swait.ge [sflag:s11], $0x80  }
.Ltmp0:
0x23: {  	[sflag:s11] =	ssyncset.done $0x0;
	(pc) =	sbr.rel @p0 .LBB2_2-.Ltmp0, $4  }
0x24: {  	[sflag:s11] =	ssyncadd.s32 $0xFFFFFF80  }
0x25: {  	[spmem:s3] =	stream.indirect.scatter.add.f32 [tilespmem:s12], [sflag:$0x1], $0x80, s13, s14, $0xb8;
	[tilespmem:$0x18080] =	vst v63  }
0x26: {  	_ =	swait.ge [sflag:s11], $0x4000  }
0x27: {  	s17 =	smov.u32 s19;
	[sflag:s11] =	ssyncset.done $0x0  }
0x28: {  	s16 =	sadd.s32 s16, s9;
	[sflag:s11] =	ssyncadd.s32 $0xFFFFC000  }
0x29: {  	[tilespmem:s13], [sflag:$0x1] =	stream.linear.gather [hbm4b:s16+s4], $0x80, $0x38;
	[tilespmem:$0x18080] =	vst v63  }
0x2a: {  	_ =	swait.ge [sflag:s11], $0x80  }
0x2b: {  	[sflag:s11] =	ssyncset.done $0x0  }
0x2c: {  	[sflag:s11] =	ssyncadd.s32 $0xFFFFFF80  }
0x2d: {  	[spmem:s3] =	stream.indirect.scatter.add.f32 [tilespmem:s12], [sflag:$0x1], $0x80, s13, s14, $0xb8;
	[tilespmem:$0x18080] =	vst v63  }
0x2e: {  	_ =	swait.ge [sflag:s11], $0x4000  }
0x2f: {  	s15 =	sadd.s32 $0x1, s15;
	[sflag:s11] =	ssyncset.done $0x0  }
0x30: {  	p0 =	sne.s32 s15, s7;
	[sflag:s11] =	ssyncadd.s32 $0xFFFFC000  }
.Ltmp1:
0x31: {  	[bflag:$0x0] =	sbarrier.arrive $0xFFFF;
	(pc) =	sbr.rel @p0 .LBB2_1-.Ltmp1, $4  }
0x32: {  	[hbm:s8], [sflag:s6] =	dma.local [spmem:s10], $0x2800  }
0x33: {  	_ =	swait.ge [sflag:s11], $0x2800  }
0x34: {  	[sflag:s11] =	ssyncset.done $0x0  }
0x35: {  	[sflag:s11] =	ssyncadd.s32 $0xFFFFD800  }
0x36: {  	_ =	sfence.sel $0x180000  }
0x37: {  	[bflag:$0x0] =	sbarrier.arrive $0xFFFF  }
0x38: {  	p0 =	sne.s32 s2, $0x0;
	_ =	strace $0x90000047  }
0x39: {  	s0 =	sadd.s32 @!p0 $0x100000, s0;
	[bflag:$0x2] =	sbarrier.arrive $0xFFFF  }
0x3a: {  	[sflag:s0] =	ssyncadd.tile.s32 @!p0 $0x1;
	_ =	shalt  }
.Lfunc_end2:
_tile_overlayer_lowered:
.L_overlay_start_2:
0x3b: {  	(tag) =	ssettag $0x2  }
0x3c: {  	s0 =	rddreg [dreg:$0x0];
	s2 =	stileid.u32  }
0x3d: {  	s1 =	rddreg [dreg:$0x1];
	p0 =	sne.s32 s2, $0x0  }
0x3e: {  	s3 =	rddreg [dreg:$0x2];
	[bflag:$0x3] =	sbarrier.arrive $0xFFFF;
	s2 =	simm.s32 @!p0 $0x1C01  }
0x3f: {  	[timem:s3], [sflag:s2] =	dma.local @!p0 [hbm:s0], s1  }
0x40: {  	s0 =	simm.s32 @!p0 $0x1  }
0x41: {  	_ =	swait.ge @!p0 [sflag:s0], s1  }
0x42: {  	s1 =	ssub.s32 @!p0 $0x0, s1;
	[sflag:s0] =	ssyncset.done @!p0 $0x0  }
0x43: {  	[sflag:s0] =	ssyncadd.s32 @!p0 s1  }
0x44: {  	[bflag:$0x3] =	sbarrier.arrive $0xFFFF  }
0x45: {  	_ =	shalt  }

</sc_bundles>
